<compile_context>
chip_gen: v7x
topology: tpu7x:2x2x1
jax: 0.10.2.dev20260603
libtpu: 0.0.44.dev20260713+nightly
codegen_flags: <defaults>
</compile_context>

<pallas_src>
import functools

import jax
import jax.numpy as jnp
from jax import lax
from jax.experimental import pallas as pl
from jax.experimental.pallas import tpu as pltpu
from jax.experimental.pallas import tpu_sc as plsc

_B = 1024
_S = 200
_E = 64
_R = 1000
_RP = 1024

_HALF = 100
_NW = 32
_ROWS_W = _B // _NW
_HALVES_W = _ROWS_W * 2


@functools.partial(jax.jit, static_argnames=())
def _sc_gather_sum(table, ids2):
    mesh = plsc.VectorSubcoreMesh(core_axis_name="c", subcore_axis_name="s")

    nbuf = 8
    dist = 4

    @functools.partial(
        pl.kernel,
        out_type=(
            jax.ShapeDtypeStruct((2 * _B, _HALF, _E), jnp.float32),
            jax.ShapeDtypeStruct((_B, _E), jnp.float32),
        ),
        mesh=mesh,
        scratch_types=[
            pltpu.VMEM((_HALVES_W, _HALF), jnp.int32),
            [pltpu.VMEM((_HALF, _E), jnp.float32) for _ in range(nbuf)],
            pltpu.VMEM((_ROWS_W, _E), jnp.float32),
            [pltpu.SemaphoreType.DMA for _ in range(nbuf)],
            [pltpu.SemaphoreType.DMA for _ in range(nbuf)],
        ],
        compiler_params=pltpu.CompilerParams(use_tc_tiling_on_sc=False),
    )
    def k(table_hbm, ids_hbm, emb_out, sums_out, idx_v, bufs, sums_v,
          gsems, ssems):
        cid = lax.axis_index("c")
        sid = lax.axis_index("s")
        wid = sid * 2 + cid
        base_half = wid * _HALVES_W
        base_row = wid * _ROWS_W

        pltpu.sync_copy(ids_hbm.at[pl.ds(base_half, _HALVES_W)], idx_v)

        zero = jnp.zeros((16,), jnp.float32)

        def fire_gather(h, b):
            pltpu.async_copy(table_hbm.at[idx_v.at[h]], bufs[b], gsems[b])

        def acc_half(buf, acc):
            @pl.loop(0, _HALF, init_carry=acc, unroll=4)
            def inner(s, acc):
                a0, a1, a2, a3 = acc
                return (
                    a0 + buf[s, pl.ds(0, 16)],
                    a1 + buf[s, pl.ds(16, 16)],
                    a2 + buf[s, pl.ds(32, 16)],
                    a3 + buf[s, pl.ds(48, 16)],
                )
            return inner

        for b in range(dist):
            fire_gather(b, b)

        @pl.loop(0, _HALVES_W, step=nbuf)
        def outer(g0):
            acc = None
            for b in range(nbuf):
                g = g0 + b
                pltpu.make_async_copy(
                    table_hbm.at[idx_v.at[g]], bufs[b], gsems[b]).wait()
                if b % 2 == 0:
                    acc = acc_half(bufs[b], (zero, zero, zero, zero))
                else:
                    acc = acc_half(bufs[b], acc)
                    r = (g0 + b - 1) // 2
                    sums_v[r, pl.ds(0, 16)] = acc[0]
                    sums_v[r, pl.ds(16, 16)] = acc[1]
                    sums_v[r, pl.ds(32, 16)] = acc[2]
                    sums_v[r, pl.ds(48, 16)] = acc[3]
                pltpu.async_copy(bufs[b], emb_out.at[base_half + g], ssems[b])
                b2 = (b + dist) % nbuf
                g2 = g + dist

                @pl.when(g2 - nbuf >= 0)
                def _():
                    pltpu.make_async_copy(
                        bufs[b2], emb_out.at[base_half + g2 - nbuf],
                        ssems[b2]).wait()

                @pl.when(g2 < _HALVES_W)
                def _():
                    fire_gather(g2, b2)

        for i in range(dist):
            g = _HALVES_W - dist + i
            b = g % nbuf
            pltpu.make_async_copy(
                bufs[b], emb_out.at[base_half + g], ssems[b]).wait()

        pltpu.sync_copy(sums_v, sums_out.at[pl.ds(base_row, _ROWS_W)])

    return k(table, ids2)


def _mlp_body(s_ref, w1_ref, b1_ref, w2_ref, b2_ref, o_ref):
    x = s_ref[...] * (1.0 / _S)
    h = lax.dot_general(x, w1_ref[...], (((1,), (1,)), ((), ())),
                        preferred_element_type=jnp.float32) + b1_ref[...]
    h = jnp.maximum(h, 0.0)
    o_ref[...] = lax.dot_general(h, w2_ref[...], (((1,), (1,)), ((), ())),
                                 preferred_element_type=jnp.float32) + b2_ref[...]


def _mlp(sums, W1, b1, W2p, b2p):
    return pl.pallas_call(
        _mlp_body,
        out_shape=jax.ShapeDtypeStruct((_B, _RP), jnp.float32),
    )(sums, W1, b1.reshape(1, _E), W2p, b2p.reshape(1, _RP))


def kernel(atom_ids, atom_table, W1, b1, W2, b2):
    ids2 = atom_ids.astype(jnp.int32).reshape(2 * _B, _HALF)
    emb2, sums = _sc_gather_sum(atom_table, ids2)
    embeddings = emb2.reshape(_B, _S, _E)
    W2p = jnp.pad(W2, ((0, _RP - _R), (0, 0)))
    b2p = jnp.pad(b2, (0, _RP - _R))
    scores = _mlp(sums, W1, b1, W2p, b2p)[:, :_R]
    return scores, embeddings

# --- scband reference (transcript-rebuilt; emitter-appended) ---
"""Pipeline reference for scband-differentiable-ilp-81003083202896 (READ-ONLY COPY).

The authoritative reference and input builder live on the scoring server;
editing this copy changes nothing except your own understanding.
"""

import jax, jax.numpy as jnp
import numpy as np

N_ATOMS = 1000000
N_RULES = 1000
EMB = 64
BATCH = 1024
SEQ = 200


def setup_inputs(seed: int = 0) -> dict:
    key = jax.random.key(seed)
    k1, k2, k3, k4, k5, k6 = jax.random.split(key, 6)
    atom_ids = jax.random.randint(k1, (BATCH, SEQ), 0, N_ATOMS, dtype=jnp.int64 if jax.config.jax_enable_x64 else jnp.int32)
    atom_table = jax.random.normal(k2, (N_ATOMS, EMB), dtype=jnp.float32)
    # rule_predictor: Linear(EMB -> EMB), ReLU, Linear(EMB -> N_RULES)
    # (note: original torch code declares in_features=2*EMB which is inconsistent
    #  with the EMB-dim input it receives; we use the runnable EMB->EMB form)
    W1 = jax.random.normal(k3, (EMB, EMB), dtype=jnp.float32) * (1.0 / np.sqrt(EMB))
    b1 = jnp.zeros((EMB,), dtype=jnp.float32)
    W2 = jax.random.normal(k4, (N_RULES, EMB), dtype=jnp.float32) * (1.0 / np.sqrt(EMB))
    b2 = jnp.zeros((N_RULES,), dtype=jnp.float32)
    return {"atom_ids": atom_ids, "atom_table": atom_table, "W1": W1, "b1": b1, "W2": W2, "b2": b2}


def reference(atom_ids, atom_table, W1, b1, W2, b2):
    # embedding lookup: [B, S] -> [B, S, EMB]
    embeddings = jnp.take(atom_table, atom_ids, axis=0)
    # mean pool over sequence dim
    atom_repr = embeddings.mean(axis=1)
    # rule_predictor MLP
    h = jnp.maximum(atom_repr @ W1.T + b1, 0.0)
    rule_scores = h @ W2.T + b2
    return (rule_scores, embeddings)

if __name__ == "__main__":
    import jax
    _d = setup_inputs()
    print(jax.jit(kernel)(*tuple(_d.values())))

</pallas_src>

<mosaic_0001>
#map = affine_map<(d0, d1) -> (0, 0)>
#map1 = affine_map<(d0, d1) -> (0, 0, 0)>
module attributes {stable_mosaic.version = 14 : i64} {
  func.func @k(%arg0: i32, %arg1: i32, %arg2: memref<1000000x64xf32, #tpu.memory_space<hbm>>, %arg3: memref<2048x100xi32, #tpu.memory_space<hbm>>, %arg4: memref<2048x100x64xf32, #tpu.memory_space<hbm>>, %arg5: memref<1024x64xf32, #tpu.memory_space<hbm>>, %arg6: memref<64x100xi32, #tpu.memory_space<vmem>>, %arg7: memref<100x64xf32, #tpu.memory_space<vmem>>, %arg8: memref<100x64xf32, #tpu.memory_space<vmem>>, %arg9: memref<100x64xf32, #tpu.memory_space<vmem>>, %arg10: memref<100x64xf32, #tpu.memory_space<vmem>>, %arg11: memref<100x64xf32, #tpu.memory_space<vmem>>, %arg12: memref<100x64xf32, #tpu.memory_space<vmem>>, %arg13: memref<100x64xf32, #tpu.memory_space<vmem>>, %arg14: memref<100x64xf32, #tpu.memory_space<vmem>>, %arg15: memref<32x64xf32, #tpu.memory_space<vmem>>, %arg16: memref<!tpu.dma_semaphore, #tpu.memory_space<semaphore_mem>>, %arg17: memref<!tpu.dma_semaphore, #tpu.memory_space<semaphore_mem>>, %arg18: memref<!tpu.dma_semaphore, #tpu.memory_space<semaphore_mem>>, %arg19: memref<!tpu.dma_semaphore, #tpu.memory_space<semaphore_mem>>, %arg20: memref<!tpu.dma_semaphore, #tpu.memory_space<semaphore_mem>>, %arg21: memref<!tpu.dma_semaphore, #tpu.memory_space<semaphore_mem>>, %arg22: memref<!tpu.dma_semaphore, #tpu.memory_space<semaphore_mem>>, %arg23: memref<!tpu.dma_semaphore, #tpu.memory_space<semaphore_mem>>, %arg24: memref<!tpu.dma_semaphore, #tpu.memory_space<semaphore_mem>>, %arg25: memref<!tpu.dma_semaphore, #tpu.memory_space<semaphore_mem>>, %arg26: memref<!tpu.dma_semaphore, #tpu.memory_space<semaphore_mem>>, %arg27: memref<!tpu.dma_semaphore, #tpu.memory_space<semaphore_mem>>, %arg28: memref<!tpu.dma_semaphore, #tpu.memory_space<semaphore_mem>>, %arg29: memref<!tpu.dma_semaphore, #tpu.memory_space<semaphore_mem>>, %arg30: memref<!tpu.dma_semaphore, #tpu.memory_space<semaphore_mem>>, %arg31: memref<!tpu.dma_semaphore, #tpu.memory_space<semaphore_mem>>) attributes {dimension_semantics = [#tpu.dimension_semantics<core_parallel>, #tpu.dimension_semantics<subcore_parallel>], iteration_bounds = array<i64: 2, 16>, scalar_prefetch = 0 : i64, scratch_operands = 26 : i64, tpu.core_type = #tpu.core_type<sc_vector_subcore>, window_params = [{transform_indices = #map}, {transform_indices = #map}, {transform_indices = #map1}, {transform_indices = #map}]} {
    %mul3A = arith.constant 2 : i32
    %mul3A_0 = arith.muli %arg1, %mul3A : i32
    %add3A = arith.addi %mul3A_0, %arg0 : i32
    %mul3A_1 = arith.constant 64 : i32
    %mul3A_2 = arith.muli %add3A, %mul3A_1 : i32
    %mul3A_3 = arith.constant 32 : i32
    %mul3A_4 = arith.muli %add3A, %mul3A_3 : i32
    "tpu.region"() ({
      %run_scoped3A = tpu.sem_alloc : memref<!tpu.dma_semaphore, #tpu.memory_space<semaphore_mem>>
      %dma_start3A_76 = arith.constant 0 : i32
      %dma_start3A_77 = tpu.memref_slice %arg3[%mul3A_2, %dma_start3A_76] : memref<2048x100xi32, #tpu.memory_space<hbm>> -> memref<64x100xi32, #tpu.memory_space<hbm>>
      %dma_start3A_78 = arith.constant 0 : i32
      %dma_start3A_79 = tpu.memref_slice %arg3[%mul3A_2, %dma_start3A_78] : memref<2048x100xi32, #tpu.memory_space<hbm>> -> memref<64x100xi32, #tpu.memory_space<hbm>>
      tpu.enqueue_dma source(%dma_start3A_79 : memref<64x100xi32, #tpu.memory_space<hbm>>) target(%arg6 : memref<64x100xi32, #tpu.memory_space<vmem>>) target_semaphore(%run_scoped3A : memref<!tpu.dma_semaphore, #tpu.memory_space<semaphore_mem>>)
      %dma_wait3A_80 = arith.constant 0 : i32
      %dma_wait3A_81 = tpu.memref_slice %arg3[%mul3A_2, %dma_wait3A_80] : memref<2048x100xi32, #tpu.memory_space<hbm>> -> memref<64x100xi32, #tpu.memory_space<hbm>>
      %dma_wait3A_82 = arith.constant 0 : i32
      %dma_wait3A_83 = tpu.memref_slice %arg3[%mul3A_2, %dma_wait3A_82] : memref<2048x100xi32, #tpu.memory_space<hbm>> -> memref<64x100xi32, #tpu.memory_space<hbm>>
      tpu.wait_dma2 semaphore(%run_scoped3A : memref<!tpu.dma_semaphore, #tpu.memory_space<semaphore_mem>>) src(%dma_wait3A_83 : memref<64x100xi32, #tpu.memory_space<hbm>>) dst(%arg6 : memref<64x100xi32, #tpu.memory_space<vmem>>)
      tpu.yield
    }) : () -> ()
    %broadcast_in_dim3A = arith.constant 0.000000e+00 : f32
    %broadcast_in_dim3A_5 = vector.broadcast %broadcast_in_dim3A : f32 to vector<16xf32>
    %dma_start3A = arith.constant 0 : i32
    %dma_start3A_6 = arith.constant 0 : i32
    %dma_start3A_7 = tpu.memref_slice %arg6[%dma_start3A, %dma_start3A_6] : memref<64x100xi32, #tpu.memory_space<vmem>> -> memref<1x100xi32, #tpu.memory_space<vmem>>
    %dma_start3A_8 = tpu.memref_squeeze %dma_start3A_7 : memref<1x100xi32, #tpu.memory_space<vmem>> -> memref<100xi32, #tpu.memory_space<vmem>>
    %dma_start3A_9 = arith.constant 0 : i32
    %dma_start3A_10 = arith.constant 0 : i32
    %dma_start3A_11 = tpu.memref_slice %arg2[%dma_start3A_9, %dma_start3A_10] : memref<1000000x64xf32, #tpu.memory_space<hbm>> -> memref<1000000x64xf32, #tpu.memory_space<hbm>>
    tpu.enqueue_indirect_dma source(%dma_start3A_11 : memref<1000000x64xf32, #tpu.memory_space<hbm>>) target(%arg7 : memref<100x64xf32, #tpu.memory_space<vmem>>) offsets(%dma_start3A_8 : memref<100xi32, #tpu.memory_space<vmem>>) semaphore(%arg16 : memref<!tpu.dma_semaphore, #tpu.memory_space<semaphore_mem>>)
    %dma_start3A_12 = arith.constant 1 : i32
    %dma_start3A_13 = arith.constant 0 : i32
    %dma_start3A_14 = tpu.memref_slice %arg6[%dma_start3A_12, %dma_start3A_13] : memref<64x100xi32, #tpu.memory_space<vmem>> -> memref<1x100xi32, #tpu.memory_space<vmem>>
    %dma_start3A_15 = tpu.memref_squeeze %dma_start3A_14 : memref<1x100xi32, #tpu.memory_space<vmem>> -> memref<100xi32, #tpu.memory_space<vmem>>
    %dma_start3A_16 = arith.constant 0 : i32
    %dma_start3A_17 = arith.constant 0 : i32
    %dma_start3A_18 = tpu.memref_slice %arg2[%dma_start3A_16, %dma_start3A_17] : memref<1000000x64xf32, #tpu.memory_space<hbm>> -> memref<1000000x64xf32, #tpu.memory_space<hbm>>
    tpu.enqueue_indirect_dma source(%dma_start3A_18 : memref<1000000x64xf32, #tpu.memory_space<hbm>>) target(%arg8 : memref<100x64xf32, #tpu.memory_space<vmem>>) offsets(%dma_start3A_15 : memref<100xi32, #tpu.memory_space<vmem>>) semaphore(%arg17 : memref<!tpu.dma_semaphore, #tpu.memory_space<semaphore_mem>>)
    %dma_start3A_19 = arith.constant 2 : i32
    %dma_start3A_20 = arith.constant 0 : i32
    %dma_start3A_21 = tpu.memref_slice %arg6[%dma_start3A_19, %dma_start3A_20] : memref<64x100xi32, #tpu.memory_space<vmem>> -> memref<1x100xi32, #tpu.memory_space<vmem>>
    %dma_start3A_22 = tpu.memref_squeeze %dma_start3A_21 : memref<1x100xi32, #tpu.memory_space<vmem>> -> memref<100xi32, #tpu.memory_space<vmem>>
    %dma_start3A_23 = arith.constant 0 : i32
    %dma_start3A_24 = arith.constant 0 : i32
    %dma_start3A_25 = tpu.memref_slice %arg2[%dma_start3A_23, %dma_start3A_24] : memref<1000000x64xf32, #tpu.memory_space<hbm>> -> memref<1000000x64xf32, #tpu.memory_space<hbm>>
    tpu.enqueue_indirect_dma source(%dma_start3A_25 : memref<1000000x64xf32, #tpu.memory_space<hbm>>) target(%arg9 : memref<100x64xf32, #tpu.memory_space<vmem>>) offsets(%dma_start3A_22 : memref<100xi32, #tpu.memory_space<vmem>>) semaphore(%arg18 : memref<!tpu.dma_semaphore, #tpu.memory_space<semaphore_mem>>)
    %dma_start3A_26 = arith.constant 3 : i32
    %dma_start3A_27 = arith.constant 0 : i32
    %dma_start3A_28 = tpu.memref_slice %arg6[%dma_start3A_26, %dma_start3A_27] : memref<64x100xi32, #tpu.memory_space<vmem>> -> memref<1x100xi32, #tpu.memory_space<vmem>>
    %dma_start3A_29 = tpu.memref_squeeze %dma_start3A_28 : memref<1x100xi32, #tpu.memory_space<vmem>> -> memref<100xi32, #tpu.memory_space<vmem>>
    %dma_start3A_30 = arith.constant 0 : i32
    %dma_start3A_31 = arith.constant 0 : i32
    %dma_start3A_32 = tpu.memref_slice %arg2[%dma_start3A_30, %dma_start3A_31] : memref<1000000x64xf32, #tpu.memory_space<hbm>> -> memref<1000000x64xf32, #tpu.memory_space<hbm>>
    tpu.enqueue_indirect_dma source(%dma_start3A_32 : memref<1000000x64xf32, #tpu.memory_space<hbm>>) target(%arg10 : memref<100x64xf32, #tpu.memory_space<vmem>>) offsets(%dma_start3A_29 : memref<100xi32, #tpu.memory_space<vmem>>) semaphore(%arg19 : memref<!tpu.dma_semaphore, #tpu.memory_space<semaphore_mem>>)
    %scan3A = arith.constant 0 : i32
    %scan3A_33 = arith.constant 8 : i32
    %scan3A_34 = arith.addi %scan3A, %scan3A_33 : i32
    %scan3A_35 = arith.constant 1 : i32
    scf.for %scan3A_76 = %scan3A to %scan3A_34 step %scan3A_35  : i32 {
      %mul3A_77 = arith.constant 8 : i32
      %mul3A_78 = arith.muli %scan3A_76, %mul3A_77 : i32
      %add3A_79 = arith.constant 0 : i32
      %add3A_80 = arith.addi %add3A_79, %mul3A_78 : i32
      %add3A_81 = arith.constant 0 : i32
      %add3A_82 = arith.addi %add3A_80, %add3A_81 : i32
      %dma_wait3A_83 = arith.constant 0 : i32
      %dma_wait3A_84 = tpu.memref_slice %arg6[%add3A_82, %dma_wait3A_83] : memref<64x100xi32, #tpu.memory_space<vmem>> -> memref<1x100xi32, #tpu.memory_space<vmem>>
      %dma_wait3A_85 = tpu.memref_squeeze %dma_wait3A_84 : memref<1x100xi32, #tpu.memory_space<vmem>> -> memref<100xi32, #tpu.memory_space<vmem>>
      %dma_wait3A_86 = arith.constant 0 : i32
      %dma_wait3A_87 = arith.constant 0 : i32
      %dma_wait3A_88 = tpu.memref_slice %arg2[%dma_wait3A_86, %dma_wait3A_87] : memref<1000000x64xf32, #tpu.memory_space<hbm>> -> memref<1000000x64xf32, #tpu.memory_space<hbm>>
      tpu.wait_indirect_dma semaphore(%arg16 : memref<!tpu.dma_semaphore, #tpu.memory_space<semaphore_mem>>) src(%dma_wait3A_88 : memref<1000000x64xf32, #tpu.memory_space<hbm>>) dst(%arg7 : memref<100x64xf32, #tpu.memory_space<vmem>>)
      %scan3A_89 = arith.constant 0 : i32
      %scan3A_90 = arith.constant 100 : i32
      %scan3A_91 = arith.addi %scan3A_89, %scan3A_90 : i32
      %scan3A_92 = arith.constant 4 : i32
      %scan3A_93:4 = scf.for %scan3A_556 = %scan3A_89 to %scan3A_91 step %scan3A_92 iter_args(%scan3A_557 = %broadcast_in_dim3A_5, %scan3A_558 = %broadcast_in_dim3A_5, %scan3A_559 = %broadcast_in_dim3A_5, %scan3A_560 = %broadcast_in_dim3A_5) -> (vector<16xf32>, vector<16xf32>, vector<16xf32>, vector<16xf32>)  : i32 {
        %mul3A_561 = arith.constant 1 : i32
        %mul3A_562 = arith.muli %scan3A_556, %mul3A_561 : i32
        %add3A_563 = arith.constant 0 : i32
        %add3A_564 = arith.addi %add3A_563, %mul3A_562 : i32
        %get3A = arith.index_cast %add3A_564 : i32 to index
        %get3A_565 = arith.constant 0 : index
        %get3A_566 = tpu.vector_load %arg7[%get3A, %get3A_565] {strides = array<i32>} : memref<100x64xf32, #tpu.memory_space<vmem>>, vector<1x16xf32>,
        %get3A_567 = vector.shape_cast %get3A_566 : vector<1x16xf32> to vector<16xf32>
        %add3A_568 = arith.addf %scan3A_557, %get3A_567 : vector<16xf32>
        %get3A_569 = arith.index_cast %add3A_564 : i32 to index
        %get3A_570 = arith.constant 16 : index
        %get3A_571 = tpu.vector_load %arg7[%get3A_569, %get3A_570] {strides = array<i32>} : memref<100x64xf32, #tpu.memory_space<vmem>>, vector<1x16xf32>,
        %get3A_572 = vector.shape_cast %get3A_571 : vector<1x16xf32> to vector<16xf32>
        %add3A_573 = arith.addf %scan3A_558, %get3A_572 : vector<16xf32>
        %get3A_574 = arith.index_cast %add3A_564 : i32 to index
        %get3A_575 = arith.constant 32 : index
        %get3A_576 = tpu.vector_load %arg7[%get3A_574, %get3A_575] {strides = array<i32>} : memref<100x64xf32, #tpu.memory_space<vmem>>, vector<1x16xf32>,
        %get3A_577 = vector.shape_cast %get3A_576 : vector<1x16xf32> to vector<16xf32>
        %add3A_578 = arith.addf %scan3A_559, %get3A_577 : vector<16xf32>
        %get3A_579 = arith.index_cast %add3A_564 : i32 to index
        %get3A_580 = arith.constant 48 : index
        %get3A_581 = tpu.vector_load %arg7[%get3A_579, %get3A_580] {strides = array<i32>} : memref<100x64xf32, #tpu.memory_space<vmem>>, vector<1x16xf32>,
        %get3A_582 = vector.shape_cast %get3A_581 : vector<1x16xf32> to vector<16xf32>
        %add3A_583 = arith.addf %scan3A_560, %get3A_582 : vector<16xf32>
        %scan3A_584 = arith.constant 1 : i32
        %scan3A_585 = arith.addi %scan3A_556, %scan3A_584 : i32
        %mul3A_586 = arith.constant 1 : i32
        %mul3A_587 = arith.muli %scan3A_585, %mul3A_586 : i32
        %add3A_588 = arith.constant 0 : i32
        %add3A_589 = arith.addi %add3A_588, %mul3A_587 : i32
        %get3A_590 = arith.index_cast %add3A_589 : i32 to index
        %get3A_591 = arith.constant 0 : index
        %get3A_592 = tpu.vector_load %arg7[%get3A_590, %get3A_591] {strides = array<i32>} : memref<100x64xf32, #tpu.memory_space<vmem>>, vector<1x16xf32>,
        %get3A_593 = vector.shape_cast %get3A_592 : vector<1x16xf32> to vector<16xf32>
        %add3A_594 = arith.addf %add3A_568, %get3A_593 : vector<16xf32>
        %get3A_595 = arith.index_cast %add3A_589 : i32 to index
        %get3A_596 = arith.constant 16 : index
        %get3A_597 = tpu.vector_load %arg7[%get3A_595, %get3A_596] {strides = array<i32>} : memref<100x64xf32, #tpu.memory_space<vmem>>, vector<1x16xf32>,
        %get3A_598 = vector.shape_cast %get3A_597 : vector<1x16xf32> to vector<16xf32>
        %add3A_599 = arith.addf %add3A_573, %get3A_598 : vector<16xf32>
        %get3A_600 = arith.index_cast %add3A_589 : i32 to index
        %get3A_601 = arith.constant 32 : index
        %get3A_602 = tpu.vector_load %arg7[%get3A_600, %get3A_601] {strides = array<i32>} : memref<100x64xf32, #tpu.memory_space<vmem>>, vector<1x16xf32>,
        %get3A_603 = vector.shape_cast %get3A_602 : vector<1x16xf32> to vector<16xf32>
        %add3A_604 = arith.addf %add3A_578, %get3A_603 : vector<16xf32>
        %get3A_605 = arith.index_cast %add3A_589 : i32 to index
        %get3A_606 = arith.constant 48 : index
        %get3A_607 = tpu.vector_load %arg7[%get3A_605, %get3A_606] {strides = array<i32>} : memref<100x64xf32, #tpu.memory_space<vmem>>, vector<1x16xf32>,
        %get3A_608 = vector.shape_cast %get3A_607 : vector<1x16xf32> to vector<16xf32>
        %add3A_609 = arith.addf %add3A_583, %get3A_608 : vector<16xf32>
        %scan3A_610 = arith.constant 2 : i32
        %scan3A_611 = arith.addi %scan3A_556, %scan3A_610 : i32
        %mul3A_612 = arith.constant 1 : i32
        %mul3A_613 = arith.muli %scan3A_611, %mul3A_612 : i32
        %add3A_614 = arith.constant 0 : i32
        %add3A_615 = arith.addi %add3A_614, %mul3A_613 : i32
        %get3A_616 = arith.index_cast %add3A_615 : i32 to index
        %get3A_617 = arith.constant 0 : index
        %get3A_618 = tpu.vector_load %arg7[%get3A_616, %get3A_617] {strides = array<i32>} : memref<100x64xf32, #tpu.memory_space<vmem>>, vector<1x16xf32>,
        %get3A_619 = vector.shape_cast %get3A_618 : vector<1x16xf32> to vector<16xf32>
        %add3A_620 = arith.addf %add3A_594, %get3A_619 : vector<16xf32>
        %get3A_621 = arith.index_cast %add3A_615 : i32 to index
        %get3A_622 = arith.constant 16 : index
        %get3A_623 = tpu.vector_load %arg7[%get3A_621, %get3A_622] {strides = array<i32>} : memref<100x64xf32, #tpu.memory_space<vmem>>, vector<1x16xf32>,
        %get3A_624 = vector.shape_cast %get3A_623 : vector<1x16xf32> to vector<16xf32>
        %add3A_625 = arith.addf %add3A_599, %get3A_624 : vector<16xf32>
        %get3A_626 = arith.index_cast %add3A_615 : i32 to index
        %get3A_627 = arith.constant 32 : index
        %get3A_628 = tpu.vector_load %arg7[%get3A_626, %get3A_627] {strides = array<i32>} : memref<100x64xf32, #tpu.memory_space<vmem>>, vector<1x16xf32>,
        %get3A_629 = vector.shape_cast %get3A_628 : vector<1x16xf32> to vector<16xf32>
        %add3A_630 = arith.addf %add3A_604, %get3A_629 : vector<16xf32>
        %get3A_631 = arith.index_cast %add3A_615 : i32 to index
        %get3A_632 = arith.constant 48 : index
        %get3A_633 = tpu.vector_load %arg7[%get3A_631, %get3A_632] {strides = array<i32>} : memref<100x64xf32, #tpu.memory_space<vmem>>, vector<1x16xf32>,
        %get3A_634 = vector.shape_cast %get3A_633 : vector<1x16xf32> to vector<16xf32>
        %add3A_635 = arith.addf %add3A_609, %get3A_634 : vector<16xf32>
        %scan3A_636 = arith.constant 3 : i32
        %scan3A_637 = arith.addi %scan3A_556, %scan3A_636 : i32
        %mul3A_638 = arith.constant 1 : i32
        %mul3A_639 = arith.muli %scan3A_637, %mul3A_638 : i32
        %add3A_640 = arith.constant 0 : i32
        %add3A_641 = arith.addi %add3A_640, %mul3A_639 : i32
        %get3A_642 = arith.index_cast %add3A_641 : i32 to index
        %get3A_643 = arith.constant 0 : index
        %get3A_644 = tpu.vector_load %arg7[%get3A_642, %get3A_643] {strides = array<i32>} : memref<100x64xf32, #tpu.memory_space<vmem>>, vector<1x16xf32>,
        %get3A_645 = vector.shape_cast %get3A_644 : vector<1x16xf32> to vector<16xf32>
        %add3A_646 = arith.addf %add3A_620, %get3A_645 : vector<16xf32>
        %get3A_647 = arith.index_cast %add3A_641 : i32 to index
        %get3A_648 = arith.constant 16 : index
        %get3A_649 = tpu.vector_load %arg7[%get3A_647, %get3A_648] {strides = array<i32>} : memref<100x64xf32, #tpu.memory_space<vmem>>, vector<1x16xf32>,
        %get3A_650 = vector.shape_cast %get3A_649 : vector<1x16xf32> to vector<16xf32>
        %add3A_651 = arith.addf %add3A_625, %get3A_650 : vector<16xf32>
        %get3A_652 = arith.index_cast %add3A_641 : i32 to index
        %get3A_653 = arith.constant 32 : index
        %get3A_654 = tpu.vector_load %arg7[%get3A_652, %get3A_653] {strides = array<i32>} : memref<100x64xf32, #tpu.memory_space<vmem>>, vector<1x16xf32>,
        %get3A_655 = vector.shape_cast %get3A_654 : vector<1x16xf32> to vector<16xf32>
        %add3A_656 = arith.addf %add3A_630, %get3A_655 : vector<16xf32>
        %get3A_657 = arith.index_cast %add3A_641 : i32 to index
        %get3A_658 = arith.constant 48 : index
        %get3A_659 = tpu.vector_load %arg7[%get3A_657, %get3A_658] {strides = array<i32>} : memref<100x64xf32, #tpu.memory_space<vmem>>, vector<1x16xf32>,
        %get3A_660 = vector.shape_cast %get3A_659 : vector<1x16xf32> to vector<16xf32>
        %add3A_661 = arith.addf %add3A_635, %get3A_660 : vector<16xf32>
        scf.yield %add3A_646, %add3A_651, %add3A_656, %add3A_661 : vector<16xf32>, vector<16xf32>, vector<16xf32>, vector<16xf32>
      }
      %scan3A_94 = arith.constant 100 : i32
      %add3A_95 = arith.addi %mul3A_2, %add3A_82 : i32
      %dma_start3A_96 = arith.constant 0 : i32
      %dma_start3A_97 = arith.constant 0 : i32
      %dma_start3A_98 = tpu.memref_slice %arg4[%add3A_95, %dma_start3A_96, %dma_start3A_97] : memref<2048x100x64xf32, #tpu.memory_space<hbm>> -> memref<1x100x64xf32, #tpu.memory_space<hbm>>
      %dma_start3A_99 = tpu.memref_squeeze %dma_start3A_98 : memref<1x100x64xf32, #tpu.memory_space<hbm>> -> memref<100x64xf32, #tpu.memory_space<hbm>>
      %dma_start3A_100 = arith.constant 0 : i32
      %dma_start3A_101 = arith.constant 0 : i32
      %dma_start3A_102 = tpu.memref_slice %arg4[%add3A_95, %dma_start3A_100, %dma_start3A_101] : memref<2048x100x64xf32, #tpu.memory_space<hbm>> -> memref<1x100x64xf32, #tpu.memory_space<hbm>>
      %dma_start3A_103 = tpu.memref_squeeze %dma_start3A_102 : memref<1x100x64xf32, #tpu.memory_space<hbm>> -> memref<100x64xf32, #tpu.memory_space<hbm>>
      tpu.enqueue_dma source(%arg7 : memref<100x64xf32, #tpu.memory_space<vmem>>) target(%dma_start3A_103 : memref<100x64xf32, #tpu.memory_space<hbm>>) target_semaphore(%arg24 : memref<!tpu.dma_semaphore, #tpu.memory_space<semaphore_mem>>)
      %add3A_104 = arith.constant 4 : i32
      %add3A_105 = arith.addi %add3A_82, %add3A_104 : i32
      %sub3A = arith.constant 8 : i32
      %sub3A_106 = arith.subi %add3A_105, %sub3A : i32
      %ge3A = arith.constant 0 : i32
      %ge3A_107 = arith.cmpi sge, %sub3A_106, %ge3A : i32
      %convert_element_type3A = arith.extui %ge3A_107 : i1 to i32
      %cond3A = arith.constant 0 : i32
      %cond3A_108 = arith.cmpi ne, %convert_element_type3A, %cond3A : i32
      scf.if %cond3A_108 {
        %add3A_556 = arith.addi %mul3A_2, %add3A_105 : i32
        %sub3A_557 = arith.constant 8 : i32
        %sub3A_558 = arith.subi %add3A_556, %sub3A_557 : i32
        %dma_wait3A_559 = arith.constant 0 : i32
        %dma_wait3A_560 = arith.constant 0 : i32
        %dma_wait3A_561 = tpu.memref_slice %arg4[%sub3A_558, %dma_wait3A_559, %dma_wait3A_560] : memref<2048x100x64xf32, #tpu.memory_space<hbm>> -> memref<1x100x64xf32, #tpu.memory_space<hbm>>
        %dma_wait3A_562 = tpu.memref_squeeze %dma_wait3A_561 : memref<1x100x64xf32, #tpu.memory_space<hbm>> -> memref<100x64xf32, #tpu.memory_space<hbm>>
        %dma_wait3A_563 = arith.constant 0 : i32
        %dma_wait3A_564 = arith.constant 0 : i32
        %dma_wait3A_565 = tpu.memref_slice %arg4[%sub3A_558, %dma_wait3A_563, %dma_wait3A_564] : memref<2048x100x64xf32, #tpu.memory_space<hbm>> -> memref<1x100x64xf32, #tpu.memory_space<hbm>>
        %dma_wait3A_566 = tpu.memref_squeeze %dma_wait3A_565 : memref<1x100x64xf32, #tpu.memory_space<hbm>> -> memref<100x64xf32, #tpu.memory_space<hbm>>
        tpu.wait_dma2 semaphore(%arg28 : memref<!tpu.dma_semaphore, #tpu.memory_space<semaphore_mem>>) src(%arg11 : memref<100x64xf32, #tpu.memory_space<vmem>>) dst(%dma_wait3A_566 : memref<100x64xf32, #tpu.memory_space<hbm>>)
      } else {
      }
      %lt3A = arith.constant 64 : i32
      %lt3A_109 = arith.cmpi slt, %add3A_105, %lt3A : i32
      %convert_element_type3A_110 = arith.extui %lt3A_109 : i1 to i32
      %cond3A_111 = arith.constant 0 : i32
      %cond3A_112 = arith.cmpi ne, %convert_element_type3A_110, %cond3A_111 : i32
      scf.if %cond3A_112 {
        %dma_start3A_556 = arith.constant 0 : i32
        %dma_start3A_557 = tpu.memref_slice %arg6[%add3A_105, %dma_start3A_556] : memref<64x100xi32, #tpu.memory_space<vmem>> -> memref<1x100xi32, #tpu.memory_space<vmem>>
        %dma_start3A_558 = tpu.memref_squeeze %dma_start3A_557 : memref<1x100xi32, #tpu.memory_space<vmem>> -> memref<100xi32, #tpu.memory_space<vmem>>
        %dma_start3A_559 = arith.constant 0 : i32
        %dma_start3A_560 = arith.constant 0 : i32
        %dma_start3A_561 = tpu.memref_slice %arg2[%dma_start3A_559, %dma_start3A_560] : memref<1000000x64xf32, #tpu.memory_space<hbm>> -> memref<1000000x64xf32, #tpu.memory_space<hbm>>
        tpu.enqueue_indirect_dma source(%dma_start3A_561 : memref<1000000x64xf32, #tpu.memory_space<hbm>>) target(%arg11 : memref<100x64xf32, #tpu.memory_space<vmem>>) offsets(%dma_start3A_558 : memref<100xi32, #tpu.memory_space<vmem>>) semaphore(%arg20 : memref<!tpu.dma_semaphore, #tpu.memory_space<semaphore_mem>>)
      } else {
      }
      %add3A_113 = arith.constant 1 : i32
      %add3A_114 = arith.addi %add3A_80, %add3A_113 : i32
      %dma_wait3A_115 = arith.constant 0 : i32
      %dma_wait3A_116 = tpu.memref_slice %arg6[%add3A_114, %dma_wait3A_115] : memref<64x100xi32, #tpu.memory_space<vmem>> -> memref<1x100xi32, #tpu.memory_space<vmem>>
      %dma_wait3A_117 = tpu.memref_squeeze %dma_wait3A_116 : memref<1x100xi32, #tpu.memory_space<vmem>> -> memref<100xi32, #tpu.memory_space<vmem>>
      %dma_wait3A_118 = arith.constant 0 : i32
      %dma_wait3A_119 = arith.constant 0 : i32
      %dma_wait3A_120 = tpu.memref_slice %arg2[%dma_wait3A_118, %dma_wait3A_119] : memref<1000000x64xf32, #tpu.memory_space<hbm>> -> memref<1000000x64xf32, #tpu.memory_space<hbm>>
      tpu.wait_indirect_dma semaphore(%arg17 : memref<!tpu.dma_semaphore, #tpu.memory_space<semaphore_mem>>) src(%dma_wait3A_120 : memref<1000000x64xf32, #tpu.memory_space<hbm>>) dst(%arg8 : memref<100x64xf32, #tpu.memory_space<vmem>>)
      %scan3A_121 = arith.constant 0 : i32
      %scan3A_122 = arith.constant 100 : i32
      %scan3A_123 = arith.addi %scan3A_121, %scan3A_122 : i32
      %scan3A_124 = arith.constant 4 : i32
      %scan3A_125:4 = scf.for %scan3A_556 = %scan3A_121 to %scan3A_123 step %scan3A_124 iter_args(%scan3A_557 = %scan3A_93#0, %scan3A_558 = %scan3A_93#1, %scan3A_559 = %scan3A_93#2, %scan3A_560 = %scan3A_93#3) -> (vector<16xf32>, vector<16xf32>, vector<16xf32>, vector<16xf32>)  : i32 {
        %mul3A_561 = arith.constant 1 : i32
        %mul3A_562 = arith.muli %scan3A_556, %mul3A_561 : i32
        %add3A_563 = arith.constant 0 : i32
        %add3A_564 = arith.addi %add3A_563, %mul3A_562 : i32
        %get3A = arith.index_cast %add3A_564 : i32 to index
        %get3A_565 = arith.constant 0 : index
        %get3A_566 = tpu.vector_load %arg8[%get3A, %get3A_565] {strides = array<i32>} : memref<100x64xf32, #tpu.memory_space<vmem>>, vector<1x16xf32>,
        %get3A_567 = vector.shape_cast %get3A_566 : vector<1x16xf32> to vector<16xf32>
        %add3A_568 = arith.addf %scan3A_557, %get3A_567 : vector<16xf32>
        %get3A_569 = arith.index_cast %add3A_564 : i32 to index
        %get3A_570 = arith.constant 16 : index
        %get3A_571 = tpu.vector_load %arg8[%get3A_569, %get3A_570] {strides = array<i32>} : memref<100x64xf32, #tpu.memory_space<vmem>>, vector<1x16xf32>,
        %get3A_572 = vector.shape_cast %get3A_571 : vector<1x16xf32> to vector<16xf32>
        %add3A_573 = arith.addf %scan3A_558, %get3A_572 : vector<16xf32>
        %get3A_574 = arith.index_cast %add3A_564 : i32 to index
        %get3A_575 = arith.constant 32 : index
        %get3A_576 = tpu.vector_load %arg8[%get3A_574, %get3A_575] {strides = array<i32>} : memref<100x64xf32, #tpu.memory_space<vmem>>, vector<1x16xf32>,
        %get3A_577 = vector.shape_cast %get3A_576 : vector<1x16xf32> to vector<16xf32>
        %add3A_578 = arith.addf %scan3A_559, %get3A_577 : vector<16xf32>
        %get3A_579 = arith.index_cast %add3A_564 : i32 to index
        %get3A_580 = arith.constant 48 : index
        %get3A_581 = tpu.vector_load %arg8[%get3A_579, %get3A_580] {strides = array<i32>} : memref<100x64xf32, #tpu.memory_space<vmem>>, vector<1x16xf32>,
        %get3A_582 = vector.shape_cast %get3A_581 : vector<1x16xf32> to vector<16xf32>
        %add3A_583 = arith.addf %scan3A_560, %get3A_582 : vector<16xf32>
        %scan3A_584 = arith.constant 1 : i32
        %scan3A_585 = arith.addi %scan3A_556, %scan3A_584 : i32
        %mul3A_586 = arith.constant 1 : i32
        %mul3A_587 = arith.muli %scan3A_585, %mul3A_586 : i32
        %add3A_588 = arith.constant 0 : i32
        %add3A_589 = arith.addi %add3A_588, %mul3A_587 : i32
        %get3A_590 = arith.index_cast %add3A_589 : i32 to index
        %get3A_591 = arith.constant 0 : index
        %get3A_592 = tpu.vector_load %arg8[%get3A_590, %get3A_591] {strides = array<i32>} : memref<100x64xf32, #tpu.memory_space<vmem>>, vector<1x16xf32>,
        %get3A_593 = vector.shape_cast %get3A_592 : vector<1x16xf32> to vector<16xf32>
        %add3A_594 = arith.addf %add3A_568, %get3A_593 : vector<16xf32>
        %get3A_595 = arith.index_cast %add3A_589 : i32 to index
        %get3A_596 = arith.constant 16 : index
        %get3A_597 = tpu.vector_load %arg8[%get3A_595, %get3A_596] {strides = array<i32>} : memref<100x64xf32, #tpu.memory_space<vmem>>, vector<1x16xf32>,
        %get3A_598 = vector.shape_cast %get3A_597 : vector<1x16xf32> to vector<16xf32>
        %add3A_599 = arith.addf %add3A_573, %get3A_598 : vector<16xf32>
        %get3A_600 = arith.index_cast %add3A_589 : i32 to index
        %get3A_601 = arith.constant 32 : index
        %get3A_602 = tpu.vector_load %arg8[%get3A_600, %get3A_601] {strides = array<i32>} : memref<100x64xf32, #tpu.memory_space<vmem>>, vector<1x16xf32>,
        %get3A_603 = vector.shape_cast %get3A_602 : vector<1x16xf32> to vector<16xf32>
        %add3A_604 = arith.addf %add3A_578, %get3A_603 : vector<16xf32>
        %get3A_605 = arith.index_cast %add3A_589 : i32 to index
        %get3A_606 = arith.constant 48 : index
        %get3A_607 = tpu.vector_load %arg8[%get3A_605, %get3A_606] {strides = array<i32>} : memref<100x64xf32, #tpu.memory_space<vmem>>, vector<1x16xf32>,
        %get3A_608 = vector.shape_cast %get3A_607 : vector<1x16xf32> to vector<16xf32>
        %add3A_609 = arith.addf %add3A_583, %get3A_608 : vector<16xf32>
        %scan3A_610 = arith.constant 2 : i32
        %scan3A_611 = arith.addi %scan3A_556, %scan3A_610 : i32
        %mul3A_612 = arith.constant 1 : i32
        %mul3A_613 = arith.muli %scan3A_611, %mul3A_612 : i32
        %add3A_614 = arith.constant 0 : i32
        %add3A_615 = arith.addi %add3A_614, %mul3A_613 : i32
        %get3A_616 = arith.index_cast %add3A_615 : i32 to index
        %get3A_617 = arith.constant 0 : index
        %get3A_618 = tpu.vector_load %arg8[%get3A_616, %get3A_617] {strides = array<i32>} : memref<100x64xf32, #tpu.memory_space<vmem>>, vector<1x16xf32>,
        %get3A_619 = vector.shape_cast %get3A_618 : vector<1x16xf32> to vector<16xf32>
        %add3A_620 = arith.addf %add3A_594, %get3A_619 : vector<16xf32>
        %get3A_621 = arith.index_cast %add3A_615 : i32 to index
        %get3A_622 = arith.constant 16 : index
        %get3A_623 = tpu.vector_load %arg8[%get3A_621, %get3A_622] {strides = array<i32>} : memref<100x64xf32, #tpu.memory_space<vmem>>, vector<1x16xf32>,
        %get3A_624 = vector.shape_cast %get3A_623 : vector<1x16xf32> to vector<16xf32>
        %add3A_625 = arith.addf %add3A_599, %get3A_624 : vector<16xf32>
        %get3A_626 = arith.index_cast %add3A_615 : i32 to index
        %get3A_627 = arith.constant 32 : index
        %get3A_628 = tpu.vector_load %arg8[%get3A_626, %get3A_627] {strides = array<i32>} : memref<100x64xf32, #tpu.memory_space<vmem>>, vector<1x16xf32>,
        %get3A_629 = vector.shape_cast %get3A_628 : vector<1x16xf32> to vector<16xf32>
        %add3A_630 = arith.addf %add3A_604, %get3A_629 : vector<16xf32>
        %get3A_631 = arith.index_cast %add3A_615 : i32 to index
        %get3A_632 = arith.constant 48 : index
        %get3A_633 = tpu.vector_load %arg8[%get3A_631, %get3A_632] {strides = array<i32>} : memref<100x64xf32, #tpu.memory_space<vmem>>, vector<1x16xf32>,
        %get3A_634 = vector.shape_cast %get3A_633 : vector<1x16xf32> to vector<16xf32>
        %add3A_635 = arith.addf %add3A_609, %get3A_634 : vector<16xf32>
        %scan3A_636 = arith.constant 3 : i32
        %scan3A_637 = arith.addi %scan3A_556, %scan3A_636 : i32
        %mul3A_638 = arith.constant 1 : i32
        %mul3A_639 = arith.muli %scan3A_637, %mul3A_638 : i32
        %add3A_640 = arith.constant 0 : i32
        %add3A_641 = arith.addi %add3A_640, %mul3A_639 : i32
        %get3A_642 = arith.index_cast %add3A_641 : i32 to index
        %get3A_643 = arith.constant 0 : index
        %get3A_644 = tpu.vector_load %arg8[%get3A_642, %get3A_643] {strides = array<i32>} : memref<100x64xf32, #tpu.memory_space<vmem>>, vector<1x16xf32>,
        %get3A_645 = vector.shape_cast %get3A_644 : vector<1x16xf32> to vector<16xf32>
        %add3A_646 = arith.addf %add3A_620, %get3A_645 : vector<16xf32>
        %get3A_647 = arith.index_cast %add3A_641 : i32 to index
        %get3A_648 = arith.constant 16 : index
        %get3A_649 = tpu.vector_load %arg8[%get3A_647, %get3A_648] {strides = array<i32>} : memref<100x64xf32, #tpu.memory_space<vmem>>, vector<1x16xf32>,
        %get3A_650 = vector.shape_cast %get3A_649 : vector<1x16xf32> to vector<16xf32>
        %add3A_651 = arith.addf %add3A_625, %get3A_650 : vector<16xf32>
        %get3A_652 = arith.index_cast %add3A_641 : i32 to index
        %get3A_653 = arith.constant 32 : index
        %get3A_654 = tpu.vector_load %arg8[%get3A_652, %get3A_653] {strides = array<i32>} : memref<100x64xf32, #tpu.memory_space<vmem>>, vector<1x16xf32>,
        %get3A_655 = vector.shape_cast %get3A_654 : vector<1x16xf32> to vector<16xf32>
        %add3A_656 = arith.addf %add3A_630, %get3A_655 : vector<16xf32>
        %get3A_657 = arith.index_cast %add3A_641 : i32 to index
        %get3A_658 = arith.constant 48 : index
        %get3A_659 = tpu.vector_load %arg8[%get3A_657, %get3A_658] {strides = array<i32>} : memref<100x64xf32, #tpu.memory_space<vmem>>, vector<1x16xf32>,
        %get3A_660 = vector.shape_cast %get3A_659 : vector<1x16xf32> to vector<16xf32>
        %add3A_661 = arith.addf %add3A_635, %get3A_660 : vector<16xf32>
        scf.yield %add3A_646, %add3A_651, %add3A_656, %add3A_661 : vector<16xf32>, vector<16xf32>, vector<16xf32>, vector<16xf32>
      }
      %scan3A_126 = arith.constant 100 : i32
      %add3A_127 = arith.constant 1 : i32
      %add3A_128 = arith.addi %add3A_80, %add3A_127 : i32
      %sub3A_129 = arith.constant 1 : i32
      %sub3A_130 = arith.subi %add3A_128, %sub3A_129 : i32
      %jit3A = arith.constant 2 : i32
      %div3A = arith.divsi %sub3A_130, %jit3A : i32
      %sign3A = arith.constant 0 : i32
      %sign3A_131 = arith.cmpi sgt, %sub3A_130, %sign3A : i32
      %sign3A_132 = arith.extui %sign3A_131 : i1 to i32
      %sign3A_133 = arith.constant 0 : i32
      %sign3A_134 = arith.cmpi slt, %sub3A_130, %sign3A_133 : i32
      %sign3A_135 = arith.extui %sign3A_134 : i1 to i32
      %sign3A_136 = arith.subi %sign3A_132, %sign3A_135 : i32
      %sign3A_137 = arith.constant 0 : i32
      %sign3A_138 = arith.cmpi sgt, %jit3A, %sign3A_137 : i32
      %sign3A_139 = arith.extui %sign3A_138 : i1 to i32
      %sign3A_140 = arith.constant 0 : i32
      %sign3A_141 = arith.cmpi slt, %jit3A, %sign3A_140 : i32
      %sign3A_142 = arith.extui %sign3A_141 : i1 to i32
      %sign3A_143 = arith.subi %sign3A_139, %sign3A_142 : i32
      %ne3A = arith.cmpi ne, %sign3A_136, %sign3A_143 : i32
      %rem3A = arith.remsi %sub3A_130, %jit3A : i32
      %ne3A_144 = arith.constant 0 : i32
      %ne3A_145 = arith.cmpi ne, %rem3A, %ne3A_144 : i32
      %and3A = arith.andi %ne3A, %ne3A_145 : i1
      %sub3A_146 = arith.constant 1 : i32
      %sub3A_147 = arith.subi %div3A, %sub3A_146 : i32
      %select_n3A = arith.select %and3A, %sub3A_147, %div3A : i32
      %swap3A = arith.index_cast %select_n3A : i32 to index
      %swap3A_148 = arith.constant 0 : index
      %swap3A_149 = tpu.vector_load %arg15[%swap3A, %swap3A_148] {strides = array<i32>} : memref<32x64xf32, #tpu.memory_space<vmem>>, vector<1x16xf32>,
      %swap3A_150 = vector.shape_cast %swap3A_149 : vector<1x16xf32> to vector<16xf32>
      %swap3A_151 = vector.shape_cast %scan3A_125#0 : vector<16xf32> to vector<1x16xf32>
      tpu.vector_store %arg15[%swap3A, %swap3A_148], %swap3A_151 {strides = array<i32>} : memref<32x64xf32, #tpu.memory_space<vmem>>, vector<1x16xf32>,
      %swap3A_152 = arith.index_cast %select_n3A : i32 to index
      %swap3A_153 = arith.constant 16 : index
      %swap3A_154 = tpu.vector_load %arg15[%swap3A_152, %swap3A_153] {strides = array<i32>} : memref<32x64xf32, #tpu.memory_space<vmem>>, vector<1x16xf32>,
      %swap3A_155 = vector.shape_cast %swap3A_154 : vector<1x16xf32> to vector<16xf32>
      %swap3A_156 = vector.shape_cast %scan3A_125#1 : vector<16xf32> to vector<1x16xf32>
      tpu.vector_store %arg15[%swap3A_152, %swap3A_153], %swap3A_156 {strides = array<i32>} : memref<32x64xf32, #tpu.memory_space<vmem>>, vector<1x16xf32>,
      %swap3A_157 = arith.index_cast %select_n3A : i32 to index
      %swap3A_158 = arith.constant 32 : index
      %swap3A_159 = tpu.vector_load %arg15[%swap3A_157, %swap3A_158] {strides = array<i32>} : memref<32x64xf32, #tpu.memory_space<vmem>>, vector<1x16xf32>,
      %swap3A_160 = vector.shape_cast %swap3A_159 : vector<1x16xf32> to vector<16xf32>
      %swap3A_161 = vector.shape_cast %scan3A_125#2 : vector<16xf32> to vector<1x16xf32>
      tpu.vector_store %arg15[%swap3A_157, %swap3A_158], %swap3A_161 {strides = array<i32>} : memref<32x64xf32, #tpu.memory_space<vmem>>, vector<1x16xf32>,
      %swap3A_162 = arith.index_cast %select_n3A : i32 to index
      %swap3A_163 = arith.constant 48 : index
      %swap3A_164 = tpu.vector_load %arg15[%swap3A_162, %swap3A_163] {strides = array<i32>} : memref<32x64xf32, #tpu.memory_space<vmem>>, vector<1x16xf32>,
      %swap3A_165 = vector.shape_cast %swap3A_164 : vector<1x16xf32> to vector<16xf32>
      %swap3A_166 = vector.shape_cast %scan3A_125#3 : vector<16xf32> to vector<1x16xf32>
      tpu.vector_store %arg15[%swap3A_162, %swap3A_163], %swap3A_166 {strides = array<i32>} : memref<32x64xf32, #tpu.memory_space<vmem>>, vector<1x16xf32>,
      %add3A_167 = arith.addi %mul3A_2, %add3A_114 : i32
      %dma_start3A_168 = arith.constant 0 : i32
      %dma_start3A_169 = arith.constant 0 : i32
      %dma_start3A_170 = tpu.memref_slice %arg4[%add3A_167, %dma_start3A_168, %dma_start3A_169] : memref<2048x100x64xf32, #tpu.memory_space<hbm>> -> memref<1x100x64xf32, #tpu.memory_space<hbm>>
      %dma_start3A_171 = tpu.memref_squeeze %dma_start3A_170 : memref<1x100x64xf32, #tpu.memory_space<hbm>> -> memref<100x64xf32, #tpu.memory_space<hbm>>
      %dma_start3A_172 = arith.constant 0 : i32
      %dma_start3A_173 = arith.constant 0 : i32
      %dma_start3A_174 = tpu.memref_slice %arg4[%add3A_167, %dma_start3A_172, %dma_start3A_173] : memref<2048x100x64xf32, #tpu.memory_space<hbm>> -> memref<1x100x64xf32, #tpu.memory_space<hbm>>
      %dma_start3A_175 = tpu.memref_squeeze %dma_start3A_174 : memref<1x100x64xf32, #tpu.memory_space<hbm>> -> memref<100x64xf32, #tpu.memory_space<hbm>>
      tpu.enqueue_dma source(%arg8 : memref<100x64xf32, #tpu.memory_space<vmem>>) target(%dma_start3A_175 : memref<100x64xf32, #tpu.memory_space<hbm>>) target_semaphore(%arg25 : memref<!tpu.dma_semaphore, #tpu.memory_space<semaphore_mem>>)
      %add3A_176 = arith.constant 4 : i32
      %add3A_177 = arith.addi %add3A_114, %add3A_176 : i32
      %sub3A_178 = arith.constant 8 : i32
      %sub3A_179 = arith.subi %add3A_177, %sub3A_178 : i32
      %ge3A_180 = arith.constant 0 : i32
      %ge3A_181 = arith.cmpi sge, %sub3A_179, %ge3A_180 : i32
      %convert_element_type3A_182 = arith.extui %ge3A_181 : i1 to i32
      %cond3A_183 = arith.constant 0 : i32
      %cond3A_184 = arith.cmpi ne, %convert_element_type3A_182, %cond3A_183 : i32
      scf.if %cond3A_184 {
        %add3A_556 = arith.addi %mul3A_2, %add3A_177 : i32
        %sub3A_557 = arith.constant 8 : i32
        %sub3A_558 = arith.subi %add3A_556, %sub3A_557 : i32
        %dma_wait3A_559 = arith.constant 0 : i32
        %dma_wait3A_560 = arith.constant 0 : i32
        %dma_wait3A_561 = tpu.memref_slice %arg4[%sub3A_558, %dma_wait3A_559, %dma_wait3A_560] : memref<2048x100x64xf32, #tpu.memory_space<hbm>> -> memref<1x100x64xf32, #tpu.memory_space<hbm>>
        %dma_wait3A_562 = tpu.memref_squeeze %dma_wait3A_561 : memref<1x100x64xf32, #tpu.memory_space<hbm>> -> memref<100x64xf32, #tpu.memory_space<hbm>>
        %dma_wait3A_563 = arith.constant 0 : i32
        %dma_wait3A_564 = arith.constant 0 : i32
        %dma_wait3A_565 = tpu.memref_slice %arg4[%sub3A_558, %dma_wait3A_563, %dma_wait3A_564] : memref<2048x100x64xf32, #tpu.memory_space<hbm>> -> memref<1x100x64xf32, #tpu.memory_space<hbm>>
        %dma_wait3A_566 = tpu.memref_squeeze %dma_wait3A_565 : memref<1x100x64xf32, #tpu.memory_space<hbm>> -> memref<100x64xf32, #tpu.memory_space<hbm>>
        tpu.wait_dma2 semaphore(%arg29 : memref<!tpu.dma_semaphore, #tpu.memory_space<semaphore_mem>>) src(%arg12 : memref<100x64xf32, #tpu.memory_space<vmem>>) dst(%dma_wait3A_566 : memref<100x64xf32, #tpu.memory_space<hbm>>)
      } else {
      }
      %lt3A_185 = arith.constant 64 : i32
      %lt3A_186 = arith.cmpi slt, %add3A_177, %lt3A_185 : i32
      %convert_element_type3A_187 = arith.extui %lt3A_186 : i1 to i32
      %cond3A_188 = arith.constant 0 : i32
      %cond3A_189 = arith.cmpi ne, %convert_element_type3A_187, %cond3A_188 : i32
      scf.if %cond3A_189 {
        %dma_start3A_556 = arith.constant 0 : i32
        %dma_start3A_557 = tpu.memref_slice %arg6[%add3A_177, %dma_start3A_556] : memref<64x100xi32, #tpu.memory_space<vmem>> -> memref<1x100xi32, #tpu.memory_space<vmem>>
        %dma_start3A_558 = tpu.memref_squeeze %dma_start3A_557 : memref<1x100xi32, #tpu.memory_space<vmem>> -> memref<100xi32, #tpu.memory_space<vmem>>
        %dma_start3A_559 = arith.constant 0 : i32
        %dma_start3A_560 = arith.constant 0 : i32
        %dma_start3A_561 = tpu.memref_slice %arg2[%dma_start3A_559, %dma_start3A_560] : memref<1000000x64xf32, #tpu.memory_space<hbm>> -> memref<1000000x64xf32, #tpu.memory_space<hbm>>
        tpu.enqueue_indirect_dma source(%dma_start3A_561 : memref<1000000x64xf32, #tpu.memory_space<hbm>>) target(%arg12 : memref<100x64xf32, #tpu.memory_space<vmem>>) offsets(%dma_start3A_558 : memref<100xi32, #tpu.memory_space<vmem>>) semaphore(%arg21 : memref<!tpu.dma_semaphore, #tpu.memory_space<semaphore_mem>>)
      } else {
      }
      %add3A_190 = arith.constant 2 : i32
      %add3A_191 = arith.addi %add3A_80, %add3A_190 : i32
      %dma_wait3A_192 = arith.constant 0 : i32
      %dma_wait3A_193 = tpu.memref_slice %arg6[%add3A_191, %dma_wait3A_192] : memref<64x100xi32, #tpu.memory_space<vmem>> -> memref<1x100xi32, #tpu.memory_space<vmem>>
      %dma_wait3A_194 = tpu.memref_squeeze %dma_wait3A_193 : memref<1x100xi32, #tpu.memory_space<vmem>> -> memref<100xi32, #tpu.memory_space<vmem>>
      %dma_wait3A_195 = arith.constant 0 : i32
      %dma_wait3A_196 = arith.constant 0 : i32
      %dma_wait3A_197 = tpu.memref_slice %arg2[%dma_wait3A_195, %dma_wait3A_196] : memref<1000000x64xf32, #tpu.memory_space<hbm>> -> memref<1000000x64xf32, #tpu.memory_space<hbm>>
      tpu.wait_indirect_dma semaphore(%arg18 : memref<!tpu.dma_semaphore, #tpu.memory_space<semaphore_mem>>) src(%dma_wait3A_197 : memref<1000000x64xf32, #tpu.memory_space<hbm>>) dst(%arg9 : memref<100x64xf32, #tpu.memory_space<vmem>>)
      %scan3A_198 = arith.constant 0 : i32
      %scan3A_199 = arith.constant 100 : i32
      %scan3A_200 = arith.addi %scan3A_198, %scan3A_199 : i32
      %scan3A_201 = arith.constant 4 : i32
      %scan3A_202:4 = scf.for %scan3A_556 = %scan3A_198 to %scan3A_200 step %scan3A_201 iter_args(%scan3A_557 = %broadcast_in_dim3A_5, %scan3A_558 = %broadcast_in_dim3A_5, %scan3A_559 = %broadcast_in_dim3A_5, %scan3A_560 = %broadcast_in_dim3A_5) -> (vector<16xf32>, vector<16xf32>, vector<16xf32>, vector<16xf32>)  : i32 {
        %mul3A_561 = arith.constant 1 : i32
        %mul3A_562 = arith.muli %scan3A_556, %mul3A_561 : i32
        %add3A_563 = arith.constant 0 : i32
        %add3A_564 = arith.addi %add3A_563, %mul3A_562 : i32
        %get3A = arith.index_cast %add3A_564 : i32 to index
        %get3A_565 = arith.constant 0 : index
        %get3A_566 = tpu.vector_load %arg9[%get3A, %get3A_565] {strides = array<i32>} : memref<100x64xf32, #tpu.memory_space<vmem>>, vector<1x16xf32>,
        %get3A_567 = vector.shape_cast %get3A_566 : vector<1x16xf32> to vector<16xf32>
        %add3A_568 = arith.addf %scan3A_557, %get3A_567 : vector<16xf32>
        %get3A_569 = arith.index_cast %add3A_564 : i32 to index
        %get3A_570 = arith.constant 16 : index
        %get3A_571 = tpu.vector_load %arg9[%get3A_569, %get3A_570] {strides = array<i32>} : memref<100x64xf32, #tpu.memory_space<vmem>>, vector<1x16xf32>,
        %get3A_572 = vector.shape_cast %get3A_571 : vector<1x16xf32> to vector<16xf32>
        %add3A_573 = arith.addf %scan3A_558, %get3A_572 : vector<16xf32>
        %get3A_574 = arith.index_cast %add3A_564 : i32 to index
        %get3A_575 = arith.constant 32 : index
        %get3A_576 = tpu.vector_load %arg9[%get3A_574, %get3A_575] {strides = array<i32>} : memref<100x64xf32, #tpu.memory_space<vmem>>, vector<1x16xf32>,
        %get3A_577 = vector.shape_cast %get3A_576 : vector<1x16xf32> to vector<16xf32>
        %add3A_578 = arith.addf %scan3A_559, %get3A_577 : vector<16xf32>
        %get3A_579 = arith.index_cast %add3A_564 : i32 to index
        %get3A_580 = arith.constant 48 : index
        %get3A_581 = tpu.vector_load %arg9[%get3A_579, %get3A_580] {strides = array<i32>} : memref<100x64xf32, #tpu.memory_space<vmem>>, vector<1x16xf32>,
        %get3A_582 = vector.shape_cast %get3A_581 : vector<1x16xf32> to vector<16xf32>
        %add3A_583 = arith.addf %scan3A_560, %get3A_582 : vector<16xf32>
        %scan3A_584 = arith.constant 1 : i32
        %scan3A_585 = arith.addi %scan3A_556, %scan3A_584 : i32
        %mul3A_586 = arith.constant 1 : i32
        %mul3A_587 = arith.muli %scan3A_585, %mul3A_586 : i32
        %add3A_588 = arith.constant 0 : i32
        %add3A_589 = arith.addi %add3A_588, %mul3A_587 : i32
        %get3A_590 = arith.index_cast %add3A_589 : i32 to index
        %get3A_591 = arith.constant 0 : index
        %get3A_592 = tpu.vector_load %arg9[%get3A_590, %get3A_591] {strides = array<i32>} : memref<100x64xf32, #tpu.memory_space<vmem>>, vector<1x16xf32>,
        %get3A_593 = vector.shape_cast %get3A_592 : vector<1x16xf32> to vector<16xf32>
        %add3A_594 = arith.addf %add3A_568, %get3A_593 : vector<16xf32>
        %get3A_595 = arith.index_cast %add3A_589 : i32 to index
        %get3A_596 = arith.constant 16 : index
        %get3A_597 = tpu.vector_load %arg9[%get3A_595, %get3A_596] {strides = array<i32>} : memref<100x64xf32, #tpu.memory_space<vmem>>, vector<1x16xf32>,
        %get3A_598 = vector.shape_cast %get3A_597 : vector<1x16xf32> to vector<16xf32>
        %add3A_599 = arith.addf %add3A_573, %get3A_598 : vector<16xf32>
        %get3A_600 = arith.index_cast %add3A_589 : i32 to index
        %get3A_601 = arith.constant 32 : index
        %get3A_602 = tpu.vector_load %arg9[%get3A_600, %get3A_601] {strides = array<i32>} : memref<100x64xf32, #tpu.memory_space<vmem>>, vector<1x16xf32>,
        %get3A_603 = vector.shape_cast %get3A_602 : vector<1x16xf32> to vector<16xf32>
        %add3A_604 = arith.addf %add3A_578, %get3A_603 : vector<16xf32>
        %get3A_605 = arith.index_cast %add3A_589 : i32 to index
        %get3A_606 = arith.constant 48 : index
        %get3A_607 = tpu.vector_load %arg9[%get3A_605, %get3A_606] {strides = array<i32>} : memref<100x64xf32, #tpu.memory_space<vmem>>, vector<1x16xf32>,
        %get3A_608 = vector.shape_cast %get3A_607 : vector<1x16xf32> to vector<16xf32>
        %add3A_609 = arith.addf %add3A_583, %get3A_608 : vector<16xf32>
        %scan3A_610 = arith.constant 2 : i32
        %scan3A_611 = arith.addi %scan3A_556, %scan3A_610 : i32
        %mul3A_612 = arith.constant 1 : i32
        %mul3A_613 = arith.muli %scan3A_611, %mul3A_612 : i32
        %add3A_614 = arith.constant 0 : i32
        %add3A_615 = arith.addi %add3A_614, %mul3A_613 : i32
        %get3A_616 = arith.index_cast %add3A_615 : i32 to index
        %get3A_617 = arith.constant 0 : index
        %get3A_618 = tpu.vector_load %arg9[%get3A_616, %get3A_617] {strides = array<i32>} : memref<100x64xf32, #tpu.memory_space<vmem>>, vector<1x16xf32>,
        %get3A_619 = vector.shape_cast %get3A_618 : vector<1x16xf32> to vector<16xf32>
        %add3A_620 = arith.addf %add3A_594, %get3A_619 : vector<16xf32>
        %get3A_621 = arith.index_cast %add3A_615 : i32 to index
        %get3A_622 = arith.constant 16 : index
        %get3A_623 = tpu.vector_load %arg9[%get3A_621, %get3A_622] {strides = array<i32>} : memref<100x64xf32, #tpu.memory_space<vmem>>, vector<1x16xf32>,
        %get3A_624 = vector.shape_cast %get3A_623 : vector<1x16xf32> to vector<16xf32>
        %add3A_625 = arith.addf %add3A_599, %get3A_624 : vector<16xf32>
        %get3A_626 = arith.index_cast %add3A_615 : i32 to index
        %get3A_627 = arith.constant 32 : index
        %get3A_628 = tpu.vector_load %arg9[%get3A_626, %get3A_627] {strides = array<i32>} : memref<100x64xf32, #tpu.memory_space<vmem>>, vector<1x16xf32>,
        %get3A_629 = vector.shape_cast %get3A_628 : vector<1x16xf32> to vector<16xf32>
        %add3A_630 = arith.addf %add3A_604, %get3A_629 : vector<16xf32>
        %get3A_631 = arith.index_cast %add3A_615 : i32 to index
        %get3A_632 = arith.constant 48 : index
        %get3A_633 = tpu.vector_load %arg9[%get3A_631, %get3A_632] {strides = array<i32>} : memref<100x64xf32, #tpu.memory_space<vmem>>, vector<1x16xf32>,
        %get3A_634 = vector.shape_cast %get3A_633 : vector<1x16xf32> to vector<16xf32>
        %add3A_635 = arith.addf %add3A_609, %get3A_634 : vector<16xf32>
        %scan3A_636 = arith.constant 3 : i32
        %scan3A_637 = arith.addi %scan3A_556, %scan3A_636 : i32
        %mul3A_638 = arith.constant 1 : i32
        %mul3A_639 = arith.muli %scan3A_637, %mul3A_638 : i32
        %add3A_640 = arith.constant 0 : i32
        %add3A_641 = arith.addi %add3A_640, %mul3A_639 : i32
        %get3A_642 = arith.index_cast %add3A_641 : i32 to index
        %get3A_643 = arith.constant 0 : index
        %get3A_644 = tpu.vector_load %arg9[%get3A_642, %get3A_643] {strides = array<i32>} : memref<100x64xf32, #tpu.memory_space<vmem>>, vector<1x16xf32>,
        %get3A_645 = vector.shape_cast %get3A_644 : vector<1x16xf32> to vector<16xf32>
        %add3A_646 = arith.addf %add3A_620, %get3A_645 : vector<16xf32>
        %get3A_647 = arith.index_cast %add3A_641 : i32 to index
        %get3A_648 = arith.constant 16 : index
        %get3A_649 = tpu.vector_load %arg9[%get3A_647, %get3A_648] {strides = array<i32>} : memref<100x64xf32, #tpu.memory_space<vmem>>, vector<1x16xf32>,
        %get3A_650 = vector.shape_cast %get3A_649 : vector<1x16xf32> to vector<16xf32>
        %add3A_651 = arith.addf %add3A_625, %get3A_650 : vector<16xf32>
        %get3A_652 = arith.index_cast %add3A_641 : i32 to index
        %get3A_653 = arith.constant 32 : index
        %get3A_654 = tpu.vector_load %arg9[%get3A_652, %get3A_653] {strides = array<i32>} : memref<100x64xf32, #tpu.memory_space<vmem>>, vector<1x16xf32>,
        %get3A_655 = vector.shape_cast %get3A_654 : vector<1x16xf32> to vector<16xf32>
        %add3A_656 = arith.addf %add3A_630, %get3A_655 : vector<16xf32>
        %get3A_657 = arith.index_cast %add3A_641 : i32 to index
        %get3A_658 = arith.constant 48 : index
        %get3A_659 = tpu.vector_load %arg9[%get3A_657, %get3A_658] {strides = array<i32>} : memref<100x64xf32, #tpu.memory_space<vmem>>, vector<1x16xf32>,
        %get3A_660 = vector.shape_cast %get3A_659 : vector<1x16xf32> to vector<16xf32>
        %add3A_661 = arith.addf %add3A_635, %get3A_660 : vector<16xf32>
        scf.yield %add3A_646, %add3A_651, %add3A_656, %add3A_661 : vector<16xf32>, vector<16xf32>, vector<16xf32>, vector<16xf32>
      }
      %scan3A_203 = arith.constant 100 : i32
      %add3A_204 = arith.addi %mul3A_2, %add3A_191 : i32
      %dma_start3A_205 = arith.constant 0 : i32
      %dma_start3A_206 = arith.constant 0 : i32
      %dma_start3A_207 = tpu.memref_slice %arg4[%add3A_204, %dma_start3A_205, %dma_start3A_206] : memref<2048x100x64xf32, #tpu.memory_space<hbm>> -> memref<1x100x64xf32, #tpu.memory_space<hbm>>
      %dma_start3A_208 = tpu.memref_squeeze %dma_start3A_207 : memref<1x100x64xf32, #tpu.memory_space<hbm>> -> memref<100x64xf32, #tpu.memory_space<hbm>>
      %dma_start3A_209 = arith.constant 0 : i32
      %dma_start3A_210 = arith.constant 0 : i32
      %dma_start3A_211 = tpu.memref_slice %arg4[%add3A_204, %dma_start3A_209, %dma_start3A_210] : memref<2048x100x64xf32, #tpu.memory_space<hbm>> -> memref<1x100x64xf32, #tpu.memory_space<hbm>>
      %dma_start3A_212 = tpu.memref_squeeze %dma_start3A_211 : memref<1x100x64xf32, #tpu.memory_space<hbm>> -> memref<100x64xf32, #tpu.memory_space<hbm>>
      tpu.enqueue_dma source(%arg9 : memref<100x64xf32, #tpu.memory_space<vmem>>) target(%dma_start3A_212 : memref<100x64xf32, #tpu.memory_space<hbm>>) target_semaphore(%arg26 : memref<!tpu.dma_semaphore, #tpu.memory_space<semaphore_mem>>)
      %add3A_213 = arith.constant 4 : i32
      %add3A_214 = arith.addi %add3A_191, %add3A_213 : i32
      %sub3A_215 = arith.constant 8 : i32
      %sub3A_216 = arith.subi %add3A_214, %sub3A_215 : i32
      %ge3A_217 = arith.constant 0 : i32
      %ge3A_218 = arith.cmpi sge, %sub3A_216, %ge3A_217 : i32
      %convert_element_type3A_219 = arith.extui %ge3A_218 : i1 to i32
      %cond3A_220 = arith.constant 0 : i32
      %cond3A_221 = arith.cmpi ne, %convert_element_type3A_219, %cond3A_220 : i32
      scf.if %cond3A_221 {
        %add3A_556 = arith.addi %mul3A_2, %add3A_214 : i32
        %sub3A_557 = arith.constant 8 : i32
        %sub3A_558 = arith.subi %add3A_556, %sub3A_557 : i32
        %dma_wait3A_559 = arith.constant 0 : i32
        %dma_wait3A_560 = arith.constant 0 : i32
        %dma_wait3A_561 = tpu.memref_slice %arg4[%sub3A_558, %dma_wait3A_559, %dma_wait3A_560] : memref<2048x100x64xf32, #tpu.memory_space<hbm>> -> memref<1x100x64xf32, #tpu.memory_space<hbm>>
        %dma_wait3A_562 = tpu.memref_squeeze %dma_wait3A_561 : memref<1x100x64xf32, #tpu.memory_space<hbm>> -> memref<100x64xf32, #tpu.memory_space<hbm>>
        %dma_wait3A_563 = arith.constant 0 : i32
        %dma_wait3A_564 = arith.constant 0 : i32
        %dma_wait3A_565 = tpu.memref_slice %arg4[%sub3A_558, %dma_wait3A_563, %dma_wait3A_564] : memref<2048x100x64xf32, #tpu.memory_space<hbm>> -> memref<1x100x64xf32, #tpu.memory_space<hbm>>
        %dma_wait3A_566 = tpu.memref_squeeze %dma_wait3A_565 : memref<1x100x64xf32, #tpu.memory_space<hbm>> -> memref<100x64xf32, #tpu.memory_space<hbm>>
        tpu.wait_dma2 semaphore(%arg30 : memref<!tpu.dma_semaphore, #tpu.memory_space<semaphore_mem>>) src(%arg13 : memref<100x64xf32, #tpu.memory_space<vmem>>) dst(%dma_wait3A_566 : memref<100x64xf32, #tpu.memory_space<hbm>>)
      } else {
      }
      %lt3A_222 = arith.constant 64 : i32
      %lt3A_223 = arith.cmpi slt, %add3A_214, %lt3A_222 : i32
      %convert_element_type3A_224 = arith.extui %lt3A_223 : i1 to i32
      %cond3A_225 = arith.constant 0 : i32
      %cond3A_226 = arith.cmpi ne, %convert_element_type3A_224, %cond3A_225 : i32
      scf.if %cond3A_226 {
        %dma_start3A_556 = arith.constant 0 : i32
        %dma_start3A_557 = tpu.memref_slice %arg6[%add3A_214, %dma_start3A_556] : memref<64x100xi32, #tpu.memory_space<vmem>> -> memref<1x100xi32, #tpu.memory_space<vmem>>
        %dma_start3A_558 = tpu.memref_squeeze %dma_start3A_557 : memref<1x100xi32, #tpu.memory_space<vmem>> -> memref<100xi32, #tpu.memory_space<vmem>>
        %dma_start3A_559 = arith.constant 0 : i32
        %dma_start3A_560 = arith.constant 0 : i32
        %dma_start3A_561 = tpu.memref_slice %arg2[%dma_start3A_559, %dma_start3A_560] : memref<1000000x64xf32, #tpu.memory_space<hbm>> -> memref<1000000x64xf32, #tpu.memory_space<hbm>>
        tpu.enqueue_indirect_dma source(%dma_start3A_561 : memref<1000000x64xf32, #tpu.memory_space<hbm>>) target(%arg13 : memref<100x64xf32, #tpu.memory_space<vmem>>) offsets(%dma_start3A_558 : memref<100xi32, #tpu.memory_space<vmem>>) semaphore(%arg22 : memref<!tpu.dma_semaphore, #tpu.memory_space<semaphore_mem>>)
      } else {
      }
      %add3A_227 = arith.constant 3 : i32
      %add3A_228 = arith.addi %add3A_80, %add3A_227 : i32
      %dma_wait3A_229 = arith.constant 0 : i32
      %dma_wait3A_230 = tpu.memref_slice %arg6[%add3A_228, %dma_wait3A_229] : memref<64x100xi32, #tpu.memory_space<vmem>> -> memref<1x100xi32, #tpu.memory_space<vmem>>
      %dma_wait3A_231 = tpu.memref_squeeze %dma_wait3A_230 : memref<1x100xi32, #tpu.memory_space<vmem>> -> memref<100xi32, #tpu.memory_space<vmem>>
      %dma_wait3A_232 = arith.constant 0 : i32
      %dma_wait3A_233 = arith.constant 0 : i32
      %dma_wait3A_234 = tpu.memref_slice %arg2[%dma_wait3A_232, %dma_wait3A_233] : memref<1000000x64xf32, #tpu.memory_space<hbm>> -> memref<1000000x64xf32, #tpu.memory_space<hbm>>
      tpu.wait_indirect_dma semaphore(%arg19 : memref<!tpu.dma_semaphore, #tpu.memory_space<semaphore_mem>>) src(%dma_wait3A_234 : memref<1000000x64xf32, #tpu.memory_space<hbm>>) dst(%arg10 : memref<100x64xf32, #tpu.memory_space<vmem>>)
      %scan3A_235 = arith.constant 0 : i32
      %scan3A_236 = arith.constant 100 : i32
      %scan3A_237 = arith.addi %scan3A_235, %scan3A_236 : i32
      %scan3A_238 = arith.constant 4 : i32
      %scan3A_239:4 = scf.for %scan3A_556 = %scan3A_235 to %scan3A_237 step %scan3A_238 iter_args(%scan3A_557 = %scan3A_202#0, %scan3A_558 = %scan3A_202#1, %scan3A_559 = %scan3A_202#2, %scan3A_560 = %scan3A_202#3) -> (vector<16xf32>, vector<16xf32>, vector<16xf32>, vector<16xf32>)  : i32 {
        %mul3A_561 = arith.constant 1 : i32
        %mul3A_562 = arith.muli %scan3A_556, %mul3A_561 : i32
        %add3A_563 = arith.constant 0 : i32
        %add3A_564 = arith.addi %add3A_563, %mul3A_562 : i32
        %get3A = arith.index_cast %add3A_564 : i32 to index
        %get3A_565 = arith.constant 0 : index
        %get3A_566 = tpu.vector_load %arg10[%get3A, %get3A_565] {strides = array<i32>} : memref<100x64xf32, #tpu.memory_space<vmem>>, vector<1x16xf32>,
        %get3A_567 = vector.shape_cast %get3A_566 : vector<1x16xf32> to vector<16xf32>
        %add3A_568 = arith.addf %scan3A_557, %get3A_567 : vector<16xf32>
        %get3A_569 = arith.index_cast %add3A_564 : i32 to index
        %get3A_570 = arith.constant 16 : index
        %get3A_571 = tpu.vector_load %arg10[%get3A_569, %get3A_570] {strides = array<i32>} : memref<100x64xf32, #tpu.memory_space<vmem>>, vector<1x16xf32>,
        %get3A_572 = vector.shape_cast %get3A_571 : vector<1x16xf32> to vector<16xf32>
        %add3A_573 = arith.addf %scan3A_558, %get3A_572 : vector<16xf32>
        %get3A_574 = arith.index_cast %add3A_564 : i32 to index
        %get3A_575 = arith.constant 32 : index
        %get3A_576 = tpu.vector_load %arg10[%get3A_574, %get3A_575] {strides = array<i32>} : memref<100x64xf32, #tpu.memory_space<vmem>>, vector<1x16xf32>,
        %get3A_577 = vector.shape_cast %get3A_576 : vector<1x16xf32> to vector<16xf32>
        %add3A_578 = arith.addf %scan3A_559, %get3A_577 : vector<16xf32>
        %get3A_579 = arith.index_cast %add3A_564 : i32 to index
        %get3A_580 = arith.constant 48 : index
        %get3A_581 = tpu.vector_load %arg10[%get3A_579, %get3A_580] {strides = array<i32>} : memref<100x64xf32, #tpu.memory_space<vmem>>, vector<1x16xf32>,
        %get3A_582 = vector.shape_cast %get3A_581 : vector<1x16xf32> to vector<16xf32>
        %add3A_583 = arith.addf %scan3A_560, %get3A_582 : vector<16xf32>
        %scan3A_584 = arith.constant 1 : i32
        %scan3A_585 = arith.addi %scan3A_556, %scan3A_584 : i32
        %mul3A_586 = arith.constant 1 : i32
        %mul3A_587 = arith.muli %scan3A_585, %mul3A_586 : i32
        %add3A_588 = arith.constant 0 : i32
        %add3A_589 = arith.addi %add3A_588, %mul3A_587 : i32
        %get3A_590 = arith.index_cast %add3A_589 : i32 to index
        %get3A_591 = arith.constant 0 : index
        %get3A_592 = tpu.vector_load %arg10[%get3A_590, %get3A_591] {strides = array<i32>} : memref<100x64xf32, #tpu.memory_space<vmem>>, vector<1x16xf32>,
        %get3A_593 = vector.shape_cast %get3A_592 : vector<1x16xf32> to vector<16xf32>
        %add3A_594 = arith.addf %add3A_568, %get3A_593 : vector<16xf32>
        %get3A_595 = arith.index_cast %add3A_589 : i32 to index
        %get3A_596 = arith.constant 16 : index
        %get3A_597 = tpu.vector_load %arg10[%get3A_595, %get3A_596] {strides = array<i32>} : memref<100x64xf32, #tpu.memory_space<vmem>>, vector<1x16xf32>,
        %get3A_598 = vector.shape_cast %get3A_597 : vector<1x16xf32> to vector<16xf32>
        %add3A_599 = arith.addf %add3A_573, %get3A_598 : vector<16xf32>
        %get3A_600 = arith.index_cast %add3A_589 : i32 to index
        %get3A_601 = arith.constant 32 : index
        %get3A_602 = tpu.vector_load %arg10[%get3A_600, %get3A_601] {strides = array<i32>} : memref<100x64xf32, #tpu.memory_space<vmem>>, vector<1x16xf32>,
        %get3A_603 = vector.shape_cast %get3A_602 : vector<1x16xf32> to vector<16xf32>
        %add3A_604 = arith.addf %add3A_578, %get3A_603 : vector<16xf32>
        %get3A_605 = arith.index_cast %add3A_589 : i32 to index
        %get3A_606 = arith.constant 48 : index
        %get3A_607 = tpu.vector_load %arg10[%get3A_605, %get3A_606] {strides = array<i32>} : memref<100x64xf32, #tpu.memory_space<vmem>>, vector<1x16xf32>,
        %get3A_608 = vector.shape_cast %get3A_607 : vector<1x16xf32> to vector<16xf32>
        %add3A_609 = arith.addf %add3A_583, %get3A_608 : vector<16xf32>
        %scan3A_610 = arith.constant 2 : i32
        %scan3A_611 = arith.addi %scan3A_556, %scan3A_610 : i32
        %mul3A_612 = arith.constant 1 : i32
        %mul3A_613 = arith.muli %scan3A_611, %mul3A_612 : i32
        %add3A_614 = arith.constant 0 : i32
        %add3A_615 = arith.addi %add3A_614, %mul3A_613 : i32
        %get3A_616 = arith.index_cast %add3A_615 : i32 to index
        %get3A_617 = arith.constant 0 : index
        %get3A_618 = tpu.vector_load %arg10[%get3A_616, %get3A_617] {strides = array<i32>} : memref<100x64xf32, #tpu.memory_space<vmem>>, vector<1x16xf32>,
        %get3A_619 = vector.shape_cast %get3A_618 : vector<1x16xf32> to vector<16xf32>
        %add3A_620 = arith.addf %add3A_594, %get3A_619 : vector<16xf32>
        %get3A_621 = arith.index_cast %add3A_615 : i32 to index
        %get3A_622 = arith.constant 16 : index
        %get3A_623 = tpu.vector_load %arg10[%get3A_621, %get3A_622] {strides = array<i32>} : memref<100x64xf32, #tpu.memory_space<vmem>>, vector<1x16xf32>,
        %get3A_624 = vector.shape_cast %get3A_623 : vector<1x16xf32> to vector<16xf32>
        %add3A_625 = arith.addf %add3A_599, %get3A_624 : vector<16xf32>
        %get3A_626 = arith.index_cast %add3A_615 : i32 to index
        %get3A_627 = arith.constant 32 : index
        %get3A_628 = tpu.vector_load %arg10[%get3A_626, %get3A_627] {strides = array<i32>} : memref<100x64xf32, #tpu.memory_space<vmem>>, vector<1x16xf32>,
        %get3A_629 = vector.shape_cast %get3A_628 : vector<1x16xf32> to vector<16xf32>
        %add3A_630 = arith.addf %add3A_604, %get3A_629 : vector<16xf32>
        %get3A_631 = arith.index_cast %add3A_615 : i32 to index
        %get3A_632 = arith.constant 48 : index
        %get3A_633 = tpu.vector_load %arg10[%get3A_631, %get3A_632] {strides = array<i32>} : memref<100x64xf32, #tpu.memory_space<vmem>>, vector<1x16xf32>,
        %get3A_634 = vector.shape_cast %get3A_633 : vector<1x16xf32> to vector<16xf32>
        %add3A_635 = arith.addf %add3A_609, %get3A_634 : vector<16xf32>
        %scan3A_636 = arith.constant 3 : i32
        %scan3A_637 = arith.addi %scan3A_556, %scan3A_636 : i32
        %mul3A_638 = arith.constant 1 : i32
        %mul3A_639 = arith.muli %scan3A_637, %mul3A_638 : i32
        %add3A_640 = arith.constant 0 : i32
        %add3A_641 = arith.addi %add3A_640, %mul3A_639 : i32
        %get3A_642 = arith.index_cast %add3A_641 : i32 to index
        %get3A_643 = arith.constant 0 : index
        %get3A_644 = tpu.vector_load %arg10[%get3A_642, %get3A_643] {strides = array<i32>} : memref<100x64xf32, #tpu.memory_space<vmem>>, vector<1x16xf32>,
        %get3A_645 = vector.shape_cast %get3A_644 : vector<1x16xf32> to vector<16xf32>
        %add3A_646 = arith.addf %add3A_620, %get3A_645 : vector<16xf32>
        %get3A_647 = arith.index_cast %add3A_641 : i32 to index
        %get3A_648 = arith.constant 16 : index
        %get3A_649 = tpu.vector_load %arg10[%get3A_647, %get3A_648] {strides = array<i32>} : memref<100x64xf32, #tpu.memory_space<vmem>>, vector<1x16xf32>,
        %get3A_650 = vector.shape_cast %get3A_649 : vector<1x16xf32> to vector<16xf32>
        %add3A_651 = arith.addf %add3A_625, %get3A_650 : vector<16xf32>
        %get3A_652 = arith.index_cast %add3A_641 : i32 to index
        %get3A_653 = arith.constant 32 : index
        %get3A_654 = tpu.vector_load %arg10[%get3A_652, %get3A_653] {strides = array<i32>} : memref<100x64xf32, #tpu.memory_space<vmem>>, vector<1x16xf32>,
        %get3A_655 = vector.shape_cast %get3A_654 : vector<1x16xf32> to vector<16xf32>
        %add3A_656 = arith.addf %add3A_630, %get3A_655 : vector<16xf32>
        %get3A_657 = arith.index_cast %add3A_641 : i32 to index
        %get3A_658 = arith.constant 48 : index
        %get3A_659 = tpu.vector_load %arg10[%get3A_657, %get3A_658] {strides = array<i32>} : memref<100x64xf32, #tpu.memory_space<vmem>>, vector<1x16xf32>,
        %get3A_660 = vector.shape_cast %get3A_659 : vector<1x16xf32> to vector<16xf32>
        %add3A_661 = arith.addf %add3A_635, %get3A_660 : vector<16xf32>
        scf.yield %add3A_646, %add3A_651, %add3A_656, %add3A_661 : vector<16xf32>, vector<16xf32>, vector<16xf32>, vector<16xf32>
      }
      %scan3A_240 = arith.constant 100 : i32
      %add3A_241 = arith.constant 3 : i32
      %add3A_242 = arith.addi %add3A_80, %add3A_241 : i32
      %sub3A_243 = arith.constant 1 : i32
      %sub3A_244 = arith.subi %add3A_242, %sub3A_243 : i32
      %jit3A_245 = arith.constant 2 : i32
      %div3A_246 = arith.divsi %sub3A_244, %jit3A_245 : i32
      %sign3A_247 = arith.constant 0 : i32
      %sign3A_248 = arith.cmpi sgt, %sub3A_244, %sign3A_247 : i32
      %sign3A_249 = arith.extui %sign3A_248 : i1 to i32
      %sign3A_250 = arith.constant 0 : i32
      %sign3A_251 = arith.cmpi slt, %sub3A_244, %sign3A_250 : i32
      %sign3A_252 = arith.extui %sign3A_251 : i1 to i32
      %sign3A_253 = arith.subi %sign3A_249, %sign3A_252 : i32
      %sign3A_254 = arith.constant 0 : i32
      %sign3A_255 = arith.cmpi sgt, %jit3A_245, %sign3A_254 : i32
      %sign3A_256 = arith.extui %sign3A_255 : i1 to i32
      %sign3A_257 = arith.constant 0 : i32
      %sign3A_258 = arith.cmpi slt, %jit3A_245, %sign3A_257 : i32
      %sign3A_259 = arith.extui %sign3A_258 : i1 to i32
      %sign3A_260 = arith.subi %sign3A_256, %sign3A_259 : i32
      %ne3A_261 = arith.cmpi ne, %sign3A_253, %sign3A_260 : i32
      %rem3A_262 = arith.remsi %sub3A_244, %jit3A_245 : i32
      %ne3A_263 = arith.constant 0 : i32
      %ne3A_264 = arith.cmpi ne, %rem3A_262, %ne3A_263 : i32
      %and3A_265 = arith.andi %ne3A_261, %ne3A_264 : i1
      %sub3A_266 = arith.constant 1 : i32
      %sub3A_267 = arith.subi %div3A_246, %sub3A_266 : i32
      %select_n3A_268 = arith.select %and3A_265, %sub3A_267, %div3A_246 : i32
      %swap3A_269 = arith.index_cast %select_n3A_268 : i32 to index
      %swap3A_270 = arith.constant 0 : index
      %swap3A_271 = tpu.vector_load %arg15[%swap3A_269, %swap3A_270] {strides = array<i32>} : memref<32x64xf32, #tpu.memory_space<vmem>>, vector<1x16xf32>,
      %swap3A_272 = vector.shape_cast %swap3A_271 : vector<1x16xf32> to vector<16xf32>
      %swap3A_273 = vector.shape_cast %scan3A_239#0 : vector<16xf32> to vector<1x16xf32>
      tpu.vector_store %arg15[%swap3A_269, %swap3A_270], %swap3A_273 {strides = array<i32>} : memref<32x64xf32, #tpu.memory_space<vmem>>, vector<1x16xf32>,
      %swap3A_274 = arith.index_cast %select_n3A_268 : i32 to index
      %swap3A_275 = arith.constant 16 : index
      %swap3A_276 = tpu.vector_load %arg15[%swap3A_274, %swap3A_275] {strides = array<i32>} : memref<32x64xf32, #tpu.memory_space<vmem>>, vector<1x16xf32>,
      %swap3A_277 = vector.shape_cast %swap3A_276 : vector<1x16xf32> to vector<16xf32>
      %swap3A_278 = vector.shape_cast %scan3A_239#1 : vector<16xf32> to vector<1x16xf32>
      tpu.vector_store %arg15[%swap3A_274, %swap3A_275], %swap3A_278 {strides = array<i32>} : memref<32x64xf32, #tpu.memory_space<vmem>>, vector<1x16xf32>,
      %swap3A_279 = arith.index_cast %select_n3A_268 : i32 to index
      %swap3A_280 = arith.constant 32 : index
      %swap3A_281 = tpu.vector_load %arg15[%swap3A_279, %swap3A_280] {strides = array<i32>} : memref<32x64xf32, #tpu.memory_space<vmem>>, vector<1x16xf32>,
      %swap3A_282 = vector.shape_cast %swap3A_281 : vector<1x16xf32> to vector<16xf32>
      %swap3A_283 = vector.shape_cast %scan3A_239#2 : vector<16xf32> to vector<1x16xf32>
      tpu.vector_store %arg15[%swap3A_279, %swap3A_280], %swap3A_283 {strides = array<i32>} : memref<32x64xf32, #tpu.memory_space<vmem>>, vector<1x16xf32>,
      %swap3A_284 = arith.index_cast %select_n3A_268 : i32 to index
      %swap3A_285 = arith.constant 48 : index
      %swap3A_286 = tpu.vector_load %arg15[%swap3A_284, %swap3A_285] {strides = array<i32>} : memref<32x64xf32, #tpu.memory_space<vmem>>, vector<1x16xf32>,
      %swap3A_287 = vector.shape_cast %swap3A_286 : vector<1x16xf32> to vector<16xf32>
      %swap3A_288 = vector.shape_cast %scan3A_239#3 : vector<16xf32> to vector<1x16xf32>
      tpu.vector_store %arg15[%swap3A_284, %swap3A_285], %swap3A_288 {strides = array<i32>} : memref<32x64xf32, #tpu.memory_space<vmem>>, vector<1x16xf32>,
      %add3A_289 = arith.addi %mul3A_2, %add3A_228 : i32
      %dma_start3A_290 = arith.constant 0 : i32
      %dma_start3A_291 = arith.constant 0 : i32
      %dma_start3A_292 = tpu.memref_slice %arg4[%add3A_289, %dma_start3A_290, %dma_start3A_291] : memref<2048x100x64xf32, #tpu.memory_space<hbm>> -> memref<1x100x64xf32, #tpu.memory_space<hbm>>
      %dma_start3A_293 = tpu.memref_squeeze %dma_start3A_292 : memref<1x100x64xf32, #tpu.memory_space<hbm>> -> memref<100x64xf32, #tpu.memory_space<hbm>>
      %dma_start3A_294 = arith.constant 0 : i32
      %dma_start3A_295 = arith.constant 0 : i32
      %dma_start3A_296 = tpu.memref_slice %arg4[%add3A_289, %dma_start3A_294, %dma_start3A_295] : memref<2048x100x64xf32, #tpu.memory_space<hbm>> -> memref<1x100x64xf32, #tpu.memory_space<hbm>>
      %dma_start3A_297 = tpu.memref_squeeze %dma_start3A_296 : memref<1x100x64xf32, #tpu.memory_space<hbm>> -> memref<100x64xf32, #tpu.memory_space<hbm>>
      tpu.enqueue_dma source(%arg10 : memref<100x64xf32, #tpu.memory_space<vmem>>) target(%dma_start3A_297 : memref<100x64xf32, #tpu.memory_space<hbm>>) target_semaphore(%arg27 : memref<!tpu.dma_semaphore, #tpu.memory_space<semaphore_mem>>)
      %add3A_298 = arith.constant 4 : i32
      %add3A_299 = arith.addi %add3A_228, %add3A_298 : i32
      %sub3A_300 = arith.constant 8 : i32
      %sub3A_301 = arith.subi %add3A_299, %sub3A_300 : i32
      %ge3A_302 = arith.constant 0 : i32
      %ge3A_303 = arith.cmpi sge, %sub3A_301, %ge3A_302 : i32
      %convert_element_type3A_304 = arith.extui %ge3A_303 : i1 to i32
      %cond3A_305 = arith.constant 0 : i32
      %cond3A_306 = arith.cmpi ne, %convert_element_type3A_304, %cond3A_305 : i32
      scf.if %cond3A_306 {
        %add3A_556 = arith.addi %mul3A_2, %add3A_299 : i32
        %sub3A_557 = arith.constant 8 : i32
        %sub3A_558 = arith.subi %add3A_556, %sub3A_557 : i32
        %dma_wait3A_559 = arith.constant 0 : i32
        %dma_wait3A_560 = arith.constant 0 : i32
        %dma_wait3A_561 = tpu.memref_slice %arg4[%sub3A_558, %dma_wait3A_559, %dma_wait3A_560] : memref<2048x100x64xf32, #tpu.memory_space<hbm>> -> memref<1x100x64xf32, #tpu.memory_space<hbm>>
        %dma_wait3A_562 = tpu.memref_squeeze %dma_wait3A_561 : memref<1x100x64xf32, #tpu.memory_space<hbm>> -> memref<100x64xf32, #tpu.memory_space<hbm>>
        %dma_wait3A_563 = arith.constant 0 : i32
        %dma_wait3A_564 = arith.constant 0 : i32
        %dma_wait3A_565 = tpu.memref_slice %arg4[%sub3A_558, %dma_wait3A_563, %dma_wait3A_564] : memref<2048x100x64xf32, #tpu.memory_space<hbm>> -> memref<1x100x64xf32, #tpu.memory_space<hbm>>
        %dma_wait3A_566 = tpu.memref_squeeze %dma_wait3A_565 : memref<1x100x64xf32, #tpu.memory_space<hbm>> -> memref<100x64xf32, #tpu.memory_space<hbm>>
        tpu.wait_dma2 semaphore(%arg31 : memref<!tpu.dma_semaphore, #tpu.memory_space<semaphore_mem>>) src(%arg14 : memref<100x64xf32, #tpu.memory_space<vmem>>) dst(%dma_wait3A_566 : memref<100x64xf32, #tpu.memory_space<hbm>>)
      } else {
      }
      %lt3A_307 = arith.constant 64 : i32
      %lt3A_308 = arith.cmpi slt, %add3A_299, %lt3A_307 : i32
      %convert_element_type3A_309 = arith.extui %lt3A_308 : i1 to i32
      %cond3A_310 = arith.constant 0 : i32
      %cond3A_311 = arith.cmpi ne, %convert_element_type3A_309, %cond3A_310 : i32
      scf.if %cond3A_311 {
        %dma_start3A_556 = arith.constant 0 : i32
        %dma_start3A_557 = tpu.memref_slice %arg6[%add3A_299, %dma_start3A_556] : memref<64x100xi32, #tpu.memory_space<vmem>> -> memref<1x100xi32, #tpu.memory_space<vmem>>
        %dma_start3A_558 = tpu.memref_squeeze %dma_start3A_557 : memref<1x100xi32, #tpu.memory_space<vmem>> -> memref<100xi32, #tpu.memory_space<vmem>>
        %dma_start3A_559 = arith.constant 0 : i32
        %dma_start3A_560 = arith.constant 0 : i32
        %dma_start3A_561 = tpu.memref_slice %arg2[%dma_start3A_559, %dma_start3A_560] : memref<1000000x64xf32, #tpu.memory_space<hbm>> -> memref<1000000x64xf32, #tpu.memory_space<hbm>>
        tpu.enqueue_indirect_dma source(%dma_start3A_561 : memref<1000000x64xf32, #tpu.memory_space<hbm>>) target(%arg14 : memref<100x64xf32, #tpu.memory_space<vmem>>) offsets(%dma_start3A_558 : memref<100xi32, #tpu.memory_space<vmem>>) semaphore(%arg23 : memref<!tpu.dma_semaphore, #tpu.memory_space<semaphore_mem>>)
      } else {
      }
      %add3A_312 = arith.constant 4 : i32
      %add3A_313 = arith.addi %add3A_80, %add3A_312 : i32
      %dma_wait3A_314 = arith.constant 0 : i32
      %dma_wait3A_315 = tpu.memref_slice %arg6[%add3A_313, %dma_wait3A_314] : memref<64x100xi32, #tpu.memory_space<vmem>> -> memref<1x100xi32, #tpu.memory_space<vmem>>
      %dma_wait3A_316 = tpu.memref_squeeze %dma_wait3A_315 : memref<1x100xi32, #tpu.memory_space<vmem>> -> memref<100xi32, #tpu.memory_space<vmem>>
      %dma_wait3A_317 = arith.constant 0 : i32
      %dma_wait3A_318 = arith.constant 0 : i32
      %dma_wait3A_319 = tpu.memref_slice %arg2[%dma_wait3A_317, %dma_wait3A_318] : memref<1000000x64xf32, #tpu.memory_space<hbm>> -> memref<1000000x64xf32, #tpu.memory_space<hbm>>
      tpu.wait_indirect_dma semaphore(%arg20 : memref<!tpu.dma_semaphore, #tpu.memory_space<semaphore_mem>>) src(%dma_wait3A_319 : memref<1000000x64xf32, #tpu.memory_space<hbm>>) dst(%arg11 : memref<100x64xf32, #tpu.memory_space<vmem>>)
      %scan3A_320 = arith.constant 0 : i32
      %scan3A_321 = arith.constant 100 : i32
      %scan3A_322 = arith.addi %scan3A_320, %scan3A_321 : i32
      %scan3A_323 = arith.constant 4 : i32
      %scan3A_324:4 = scf.for %scan3A_556 = %scan3A_320 to %scan3A_322 step %scan3A_323 iter_args(%scan3A_557 = %broadcast_in_dim3A_5, %scan3A_558 = %broadcast_in_dim3A_5, %scan3A_559 = %broadcast_in_dim3A_5, %scan3A_560 = %broadcast_in_dim3A_5) -> (vector<16xf32>, vector<16xf32>, vector<16xf32>, vector<16xf32>)  : i32 {
        %mul3A_561 = arith.constant 1 : i32
        %mul3A_562 = arith.muli %scan3A_556, %mul3A_561 : i32
        %add3A_563 = arith.constant 0 : i32
        %add3A_564 = arith.addi %add3A_563, %mul3A_562 : i32
        %get3A = arith.index_cast %add3A_564 : i32 to index
        %get3A_565 = arith.constant 0 : index
        %get3A_566 = tpu.vector_load %arg11[%get3A, %get3A_565] {strides = array<i32>} : memref<100x64xf32, #tpu.memory_space<vmem>>, vector<1x16xf32>,
        %get3A_567 = vector.shape_cast %get3A_566 : vector<1x16xf32> to vector<16xf32>
        %add3A_568 = arith.addf %scan3A_557, %get3A_567 : vector<16xf32>
        %get3A_569 = arith.index_cast %add3A_564 : i32 to index
        %get3A_570 = arith.constant 16 : index
        %get3A_571 = tpu.vector_load %arg11[%get3A_569, %get3A_570] {strides = array<i32>} : memref<100x64xf32, #tpu.memory_space<vmem>>, vector<1x16xf32>,
        %get3A_572 = vector.shape_cast %get3A_571 : vector<1x16xf32> to vector<16xf32>
        %add3A_573 = arith.addf %scan3A_558, %get3A_572 : vector<16xf32>
        %get3A_574 = arith.index_cast %add3A_564 : i32 to index
        %get3A_575 = arith.constant 32 : index
        %get3A_576 = tpu.vector_load %arg11[%get3A_574, %get3A_575] {strides = array<i32>} : memref<100x64xf32, #tpu.memory_space<vmem>>, vector<1x16xf32>,
        %get3A_577 = vector.shape_cast %get3A_576 : vector<1x16xf32> to vector<16xf32>
        %add3A_578 = arith.addf %scan3A_559, %get3A_577 : vector<16xf32>
        %get3A_579 = arith.index_cast %add3A_564 : i32 to index
        %get3A_580 = arith.constant 48 : index
        %get3A_581 = tpu.vector_load %arg11[%get3A_579, %get3A_580] {strides = array<i32>} : memref<100x64xf32, #tpu.memory_space<vmem>>, vector<1x16xf32>,
        %get3A_582 = vector.shape_cast %get3A_581 : vector<1x16xf32> to vector<16xf32>
        %add3A_583 = arith.addf %scan3A_560, %get3A_582 : vector<16xf32>
        %scan3A_584 = arith.constant 1 : i32
        %scan3A_585 = arith.addi %scan3A_556, %scan3A_584 : i32
        %mul3A_586 = arith.constant 1 : i32
        %mul3A_587 = arith.muli %scan3A_585, %mul3A_586 : i32
        %add3A_588 = arith.constant 0 : i32
        %add3A_589 = arith.addi %add3A_588, %mul3A_587 : i32
        %get3A_590 = arith.index_cast %add3A_589 : i32 to index
        %get3A_591 = arith.constant 0 : index
        %get3A_592 = tpu.vector_load %arg11[%get3A_590, %get3A_591] {strides = array<i32>} : memref<100x64xf32, #tpu.memory_space<vmem>>, vector<1x16xf32>,
        %get3A_593 = vector.shape_cast %get3A_592 : vector<1x16xf32> to vector<16xf32>
        %add3A_594 = arith.addf %add3A_568, %get3A_593 : vector<16xf32>
        %get3A_595 = arith.index_cast %add3A_589 : i32 to index
        %get3A_596 = arith.constant 16 : index
        %get3A_597 = tpu.vector_load %arg11[%get3A_595, %get3A_596] {strides = array<i32>} : memref<100x64xf32, #tpu.memory_space<vmem>>, vector<1x16xf32>,
        %get3A_598 = vector.shape_cast %get3A_597 : vector<1x16xf32> to vector<16xf32>
        %add3A_599 = arith.addf %add3A_573, %get3A_598 : vector<16xf32>
        %get3A_600 = arith.index_cast %add3A_589 : i32 to index
        %get3A_601 = arith.constant 32 : index
        %get3A_602 = tpu.vector_load %arg11[%get3A_600, %get3A_601] {strides = array<i32>} : memref<100x64xf32, #tpu.memory_space<vmem>>, vector<1x16xf32>,
        %get3A_603 = vector.shape_cast %get3A_602 : vector<1x16xf32> to vector<16xf32>
        %add3A_604 = arith.addf %add3A_578, %get3A_603 : vector<16xf32>
        %get3A_605 = arith.index_cast %add3A_589 : i32 to index
        %get3A_606 = arith.constant 48 : index
        %get3A_607 = tpu.vector_load %arg11[%get3A_605, %get3A_606] {strides = array<i32>} : memref<100x64xf32, #tpu.memory_space<vmem>>, vector<1x16xf32>,
        %get3A_608 = vector.shape_cast %get3A_607 : vector<1x16xf32> to vector<16xf32>
        %add3A_609 = arith.addf %add3A_583, %get3A_608 : vector<16xf32>
        %scan3A_610 = arith.constant 2 : i32
        %scan3A_611 = arith.addi %scan3A_556, %scan3A_610 : i32
        %mul3A_612 = arith.constant 1 : i32
        %mul3A_613 = arith.muli %scan3A_611, %mul3A_612 : i32
        %add3A_614 = arith.constant 0 : i32
        %add3A_615 = arith.addi %add3A_614, %mul3A_613 : i32
        %get3A_616 = arith.index_cast %add3A_615 : i32 to index
        %get3A_617 = arith.constant 0 : index
        %get3A_618 = tpu.vector_load %arg11[%get3A_616, %get3A_617] {strides = array<i32>} : memref<100x64xf32, #tpu.memory_space<vmem>>, vector<1x16xf32>,
        %get3A_619 = vector.shape_cast %get3A_618 : vector<1x16xf32> to vector<16xf32>
        %add3A_620 = arith.addf %add3A_594, %get3A_619 : vector<16xf32>
        %get3A_621 = arith.index_cast %add3A_615 : i32 to index
        %get3A_622 = arith.constant 16 : index
        %get3A_623 = tpu.vector_load %arg11[%get3A_621, %get3A_622] {strides = array<i32>} : memref<100x64xf32, #tpu.memory_space<vmem>>, vector<1x16xf32>,
        %get3A_624 = vector.shape_cast %get3A_623 : vector<1x16xf32> to vector<16xf32>
        %add3A_625 = arith.addf %add3A_599, %get3A_624 : vector<16xf32>
        %get3A_626 = arith.index_cast %add3A_615 : i32 to index
        %get3A_627 = arith.constant 32 : index
        %get3A_628 = tpu.vector_load %arg11[%get3A_626, %get3A_627] {strides = array<i32>} : memref<100x64xf32, #tpu.memory_space<vmem>>, vector<1x16xf32>,
        %get3A_629 = vector.shape_cast %get3A_628 : vector<1x16xf32> to vector<16xf32>
        %add3A_630 = arith.addf %add3A_604, %get3A_629 : vector<16xf32>
        %get3A_631 = arith.index_cast %add3A_615 : i32 to index
        %get3A_632 = arith.constant 48 : index
        %get3A_633 = tpu.vector_load %arg11[%get3A_631, %get3A_632] {strides = array<i32>} : memref<100x64xf32, #tpu.memory_space<vmem>>, vector<1x16xf32>,
        %get3A_634 = vector.shape_cast %get3A_633 : vector<1x16xf32> to vector<16xf32>
        %add3A_635 = arith.addf %add3A_609, %get3A_634 : vector<16xf32>
        %scan3A_636 = arith.constant 3 : i32
        %scan3A_637 = arith.addi %scan3A_556, %scan3A_636 : i32
        %mul3A_638 = arith.constant 1 : i32
        %mul3A_639 = arith.muli %scan3A_637, %mul3A_638 : i32
        %add3A_640 = arith.constant 0 : i32
        %add3A_641 = arith.addi %add3A_640, %mul3A_639 : i32
        %get3A_642 = arith.index_cast %add3A_641 : i32 to index
        %get3A_643 = arith.constant 0 : index
        %get3A_644 = tpu.vector_load %arg11[%get3A_642, %get3A_643] {strides = array<i32>} : memref<100x64xf32, #tpu.memory_space<vmem>>, vector<1x16xf32>,
        %get3A_645 = vector.shape_cast %get3A_644 : vector<1x16xf32> to vector<16xf32>
        %add3A_646 = arith.addf %add3A_620, %get3A_645 : vector<16xf32>
        %get3A_647 = arith.index_cast %add3A_641 : i32 to index
        %get3A_648 = arith.constant 16 : index
        %get3A_649 = tpu.vector_load %arg11[%get3A_647, %get3A_648] {strides = array<i32>} : memref<100x64xf32, #tpu.memory_space<vmem>>, vector<1x16xf32>,
        %get3A_650 = vector.shape_cast %get3A_649 : vector<1x16xf32> to vector<16xf32>
        %add3A_651 = arith.addf %add3A_625, %get3A_650 : vector<16xf32>
        %get3A_652 = arith.index_cast %add3A_641 : i32 to index
        %get3A_653 = arith.constant 32 : index
        %get3A_654 = tpu.vector_load %arg11[%get3A_652, %get3A_653] {strides = array<i32>} : memref<100x64xf32, #tpu.memory_space<vmem>>, vector<1x16xf32>,
        %get3A_655 = vector.shape_cast %get3A_654 : vector<1x16xf32> to vector<16xf32>
        %add3A_656 = arith.addf %add3A_630, %get3A_655 : vector<16xf32>
        %get3A_657 = arith.index_cast %add3A_641 : i32 to index
        %get3A_658 = arith.constant 48 : index
        %get3A_659 = tpu.vector_load %arg11[%get3A_657, %get3A_658] {strides = array<i32>} : memref<100x64xf32, #tpu.memory_space<vmem>>, vector<1x16xf32>,
        %get3A_660 = vector.shape_cast %get3A_659 : vector<1x16xf32> to vector<16xf32>
        %add3A_661 = arith.addf %add3A_635, %get3A_660 : vector<16xf32>
        scf.yield %add3A_646, %add3A_651, %add3A_656, %add3A_661 : vector<16xf32>, vector<16xf32>, vector<16xf32>, vector<16xf32>
      }
      %scan3A_325 = arith.constant 100 : i32
      %add3A_326 = arith.addi %mul3A_2, %add3A_313 : i32
      %dma_start3A_327 = arith.constant 0 : i32
      %dma_start3A_328 = arith.constant 0 : i32
      %dma_start3A_329 = tpu.memref_slice %arg4[%add3A_326, %dma_start3A_327, %dma_start3A_328] : memref<2048x100x64xf32, #tpu.memory_space<hbm>> -> memref<1x100x64xf32, #tpu.memory_space<hbm>>
      %dma_start3A_330 = tpu.memref_squeeze %dma_start3A_329 : memref<1x100x64xf32, #tpu.memory_space<hbm>> -> memref<100x64xf32, #tpu.memory_space<hbm>>
      %dma_start3A_331 = arith.constant 0 : i32
      %dma_start3A_332 = arith.constant 0 : i32
      %dma_start3A_333 = tpu.memref_slice %arg4[%add3A_326, %dma_start3A_331, %dma_start3A_332] : memref<2048x100x64xf32, #tpu.memory_space<hbm>> -> memref<1x100x64xf32, #tpu.memory_space<hbm>>
      %dma_start3A_334 = tpu.memref_squeeze %dma_start3A_333 : memref<1x100x64xf32, #tpu.memory_space<hbm>> -> memref<100x64xf32, #tpu.memory_space<hbm>>
      tpu.enqueue_dma source(%arg11 : memref<100x64xf32, #tpu.memory_space<vmem>>) target(%dma_start3A_334 : memref<100x64xf32, #tpu.memory_space<hbm>>) target_semaphore(%arg28 : memref<!tpu.dma_semaphore, #tpu.memory_space<semaphore_mem>>)
      %add3A_335 = arith.constant 4 : i32
      %add3A_336 = arith.addi %add3A_313, %add3A_335 : i32
      %sub3A_337 = arith.constant 8 : i32
      %sub3A_338 = arith.subi %add3A_336, %sub3A_337 : i32
      %ge3A_339 = arith.constant 0 : i32
      %ge3A_340 = arith.cmpi sge, %sub3A_338, %ge3A_339 : i32
      %convert_element_type3A_341 = arith.extui %ge3A_340 : i1 to i32
      %cond3A_342 = arith.constant 0 : i32
      %cond3A_343 = arith.cmpi ne, %convert_element_type3A_341, %cond3A_342 : i32
      scf.if %cond3A_343 {
        %add3A_556 = arith.addi %mul3A_2, %add3A_336 : i32
        %sub3A_557 = arith.constant 8 : i32
        %sub3A_558 = arith.subi %add3A_556, %sub3A_557 : i32
        %dma_wait3A_559 = arith.constant 0 : i32
        %dma_wait3A_560 = arith.constant 0 : i32
        %dma_wait3A_561 = tpu.memref_slice %arg4[%sub3A_558, %dma_wait3A_559, %dma_wait3A_560] : memref<2048x100x64xf32, #tpu.memory_space<hbm>> -> memref<1x100x64xf32, #tpu.memory_space<hbm>>
        %dma_wait3A_562 = tpu.memref_squeeze %dma_wait3A_561 : memref<1x100x64xf32, #tpu.memory_space<hbm>> -> memref<100x64xf32, #tpu.memory_space<hbm>>
        %dma_wait3A_563 = arith.constant 0 : i32
        %dma_wait3A_564 = arith.constant 0 : i32
        %dma_wait3A_565 = tpu.memref_slice %arg4[%sub3A_558, %dma_wait3A_563, %dma_wait3A_564] : memref<2048x100x64xf32, #tpu.memory_space<hbm>> -> memref<1x100x64xf32, #tpu.memory_space<hbm>>
        %dma_wait3A_566 = tpu.memref_squeeze %dma_wait3A_565 : memref<1x100x64xf32, #tpu.memory_space<hbm>> -> memref<100x64xf32, #tpu.memory_space<hbm>>
        tpu.wait_dma2 semaphore(%arg24 : memref<!tpu.dma_semaphore, #tpu.memory_space<semaphore_mem>>) src(%arg7 : memref<100x64xf32, #tpu.memory_space<vmem>>) dst(%dma_wait3A_566 : memref<100x64xf32, #tpu.memory_space<hbm>>)
      } else {
      }
      %lt3A_344 = arith.constant 64 : i32
      %lt3A_345 = arith.cmpi slt, %add3A_336, %lt3A_344 : i32
      %convert_element_type3A_346 = arith.extui %lt3A_345 : i1 to i32
      %cond3A_347 = arith.constant 0 : i32
      %cond3A_348 = arith.cmpi ne, %convert_element_type3A_346, %cond3A_347 : i32
      scf.if %cond3A_348 {
        %dma_start3A_556 = arith.constant 0 : i32
        %dma_start3A_557 = tpu.memref_slice %arg6[%add3A_336, %dma_start3A_556] : memref<64x100xi32, #tpu.memory_space<vmem>> -> memref<1x100xi32, #tpu.memory_space<vmem>>
        %dma_start3A_558 = tpu.memref_squeeze %dma_start3A_557 : memref<1x100xi32, #tpu.memory_space<vmem>> -> memref<100xi32, #tpu.memory_space<vmem>>
        %dma_start3A_559 = arith.constant 0 : i32
        %dma_start3A_560 = arith.constant 0 : i32
        %dma_start3A_561 = tpu.memref_slice %arg2[%dma_start3A_559, %dma_start3A_560] : memref<1000000x64xf32, #tpu.memory_space<hbm>> -> memref<1000000x64xf32, #tpu.memory_space<hbm>>
        tpu.enqueue_indirect_dma source(%dma_start3A_561 : memref<1000000x64xf32, #tpu.memory_space<hbm>>) target(%arg7 : memref<100x64xf32, #tpu.memory_space<vmem>>) offsets(%dma_start3A_558 : memref<100xi32, #tpu.memory_space<vmem>>) semaphore(%arg16 : memref<!tpu.dma_semaphore, #tpu.memory_space<semaphore_mem>>)
      } else {
      }
      %add3A_349 = arith.constant 5 : i32
      %add3A_350 = arith.addi %add3A_80, %add3A_349 : i32
      %dma_wait3A_351 = arith.constant 0 : i32
      %dma_wait3A_352 = tpu.memref_slice %arg6[%add3A_350, %dma_wait3A_351] : memref<64x100xi32, #tpu.memory_space<vmem>> -> memref<1x100xi32, #tpu.memory_space<vmem>>
      %dma_wait3A_353 = tpu.memref_squeeze %dma_wait3A_352 : memref<1x100xi32, #tpu.memory_space<vmem>> -> memref<100xi32, #tpu.memory_space<vmem>>
      %dma_wait3A_354 = arith.constant 0 : i32
      %dma_wait3A_355 = arith.constant 0 : i32
      %dma_wait3A_356 = tpu.memref_slice %arg2[%dma_wait3A_354, %dma_wait3A_355] : memref<1000000x64xf32, #tpu.memory_space<hbm>> -> memref<1000000x64xf32, #tpu.memory_space<hbm>>
      tpu.wait_indirect_dma semaphore(%arg21 : memref<!tpu.dma_semaphore, #tpu.memory_space<semaphore_mem>>) src(%dma_wait3A_356 : memref<1000000x64xf32, #tpu.memory_space<hbm>>) dst(%arg12 : memref<100x64xf32, #tpu.memory_space<vmem>>)
      %scan3A_357 = arith.constant 0 : i32
      %scan3A_358 = arith.constant 100 : i32
      %scan3A_359 = arith.addi %scan3A_357, %scan3A_358 : i32
      %scan3A_360 = arith.constant 4 : i32
      %scan3A_361:4 = scf.for %scan3A_556 = %scan3A_357 to %scan3A_359 step %scan3A_360 iter_args(%scan3A_557 = %scan3A_324#0, %scan3A_558 = %scan3A_324#1, %scan3A_559 = %scan3A_324#2, %scan3A_560 = %scan3A_324#3) -> (vector<16xf32>, vector<16xf32>, vector<16xf32>, vector<16xf32>)  : i32 {
        %mul3A_561 = arith.constant 1 : i32
        %mul3A_562 = arith.muli %scan3A_556, %mul3A_561 : i32
        %add3A_563 = arith.constant 0 : i32
        %add3A_564 = arith.addi %add3A_563, %mul3A_562 : i32
        %get3A = arith.index_cast %add3A_564 : i32 to index
        %get3A_565 = arith.constant 0 : index
        %get3A_566 = tpu.vector_load %arg12[%get3A, %get3A_565] {strides = array<i32>} : memref<100x64xf32, #tpu.memory_space<vmem>>, vector<1x16xf32>,
        %get3A_567 = vector.shape_cast %get3A_566 : vector<1x16xf32> to vector<16xf32>
        %add3A_568 = arith.addf %scan3A_557, %get3A_567 : vector<16xf32>
        %get3A_569 = arith.index_cast %add3A_564 : i32 to index
        %get3A_570 = arith.constant 16 : index
        %get3A_571 = tpu.vector_load %arg12[%get3A_569, %get3A_570] {strides = array<i32>} : memref<100x64xf32, #tpu.memory_space<vmem>>, vector<1x16xf32>,
        %get3A_572 = vector.shape_cast %get3A_571 : vector<1x16xf32> to vector<16xf32>
        %add3A_573 = arith.addf %scan3A_558, %get3A_572 : vector<16xf32>
        %get3A_574 = arith.index_cast %add3A_564 : i32 to index
        %get3A_575 = arith.constant 32 : index
        %get3A_576 = tpu.vector_load %arg12[%get3A_574, %get3A_575] {strides = array<i32>} : memref<100x64xf32, #tpu.memory_space<vmem>>, vector<1x16xf32>,
        %get3A_577 = vector.shape_cast %get3A_576 : vector<1x16xf32> to vector<16xf32>
        %add3A_578 = arith.addf %scan3A_559, %get3A_577 : vector<16xf32>
        %get3A_579 = arith.index_cast %add3A_564 : i32 to index
        %get3A_580 = arith.constant 48 : index
        %get3A_581 = tpu.vector_load %arg12[%get3A_579, %get3A_580] {strides = array<i32>} : memref<100x64xf32, #tpu.memory_space<vmem>>, vector<1x16xf32>,
        %get3A_582 = vector.shape_cast %get3A_581 : vector<1x16xf32> to vector<16xf32>
        %add3A_583 = arith.addf %scan3A_560, %get3A_582 : vector<16xf32>
        %scan3A_584 = arith.constant 1 : i32
        %scan3A_585 = arith.addi %scan3A_556, %scan3A_584 : i32
        %mul3A_586 = arith.constant 1 : i32
        %mul3A_587 = arith.muli %scan3A_585, %mul3A_586 : i32
        %add3A_588 = arith.constant 0 : i32
        %add3A_589 = arith.addi %add3A_588, %mul3A_587 : i32
        %get3A_590 = arith.index_cast %add3A_589 : i32 to index
        %get3A_591 = arith.constant 0 : index
        %get3A_592 = tpu.vector_load %arg12[%get3A_590, %get3A_591] {strides = array<i32>} : memref<100x64xf32, #tpu.memory_space<vmem>>, vector<1x16xf32>,
        %get3A_593 = vector.shape_cast %get3A_592 : vector<1x16xf32> to vector<16xf32>
        %add3A_594 = arith.addf %add3A_568, %get3A_593 : vector<16xf32>
        %get3A_595 = arith.index_cast %add3A_589 : i32 to index
        %get3A_596 = arith.constant 16 : index
        %get3A_597 = tpu.vector_load %arg12[%get3A_595, %get3A_596] {strides = array<i32>} : memref<100x64xf32, #tpu.memory_space<vmem>>, vector<1x16xf32>,
        %get3A_598 = vector.shape_cast %get3A_597 : vector<1x16xf32> to vector<16xf32>
        %add3A_599 = arith.addf %add3A_573, %get3A_598 : vector<16xf32>
        %get3A_600 = arith.index_cast %add3A_589 : i32 to index
        %get3A_601 = arith.constant 32 : index
        %get3A_602 = tpu.vector_load %arg12[%get3A_600, %get3A_601] {strides = array<i32>} : memref<100x64xf32, #tpu.memory_space<vmem>>, vector<1x16xf32>,
        %get3A_603 = vector.shape_cast %get3A_602 : vector<1x16xf32> to vector<16xf32>
        %add3A_604 = arith.addf %add3A_578, %get3A_603 : vector<16xf32>
        %get3A_605 = arith.index_cast %add3A_589 : i32 to index
        %get3A_606 = arith.constant 48 : index
        %get3A_607 = tpu.vector_load %arg12[%get3A_605, %get3A_606] {strides = array<i32>} : memref<100x64xf32, #tpu.memory_space<vmem>>, vector<1x16xf32>,
        %get3A_608 = vector.shape_cast %get3A_607 : vector<1x16xf32> to vector<16xf32>
        %add3A_609 = arith.addf %add3A_583, %get3A_608 : vector<16xf32>
        %scan3A_610 = arith.constant 2 : i32
        %scan3A_611 = arith.addi %scan3A_556, %scan3A_610 : i32
        %mul3A_612 = arith.constant 1 : i32
        %mul3A_613 = arith.muli %scan3A_611, %mul3A_612 : i32
        %add3A_614 = arith.constant 0 : i32
        %add3A_615 = arith.addi %add3A_614, %mul3A_613 : i32
        %get3A_616 = arith.index_cast %add3A_615 : i32 to index
        %get3A_617 = arith.constant 0 : index
        %get3A_618 = tpu.vector_load %arg12[%get3A_616, %get3A_617] {strides = array<i32>} : memref<100x64xf32, #tpu.memory_space<vmem>>, vector<1x16xf32>,
        %get3A_619 = vector.shape_cast %get3A_618 : vector<1x16xf32> to vector<16xf32>
        %add3A_620 = arith.addf %add3A_594, %get3A_619 : vector<16xf32>
        %get3A_621 = arith.index_cast %add3A_615 : i32 to index
        %get3A_622 = arith.constant 16 : index
        %get3A_623 = tpu.vector_load %arg12[%get3A_621, %get3A_622] {strides = array<i32>} : memref<100x64xf32, #tpu.memory_space<vmem>>, vector<1x16xf32>,
        %get3A_624 = vector.shape_cast %get3A_623 : vector<1x16xf32> to vector<16xf32>
        %add3A_625 = arith.addf %add3A_599, %get3A_624 : vector<16xf32>
        %get3A_626 = arith.index_cast %add3A_615 : i32 to index
        %get3A_627 = arith.constant 32 : index
        %get3A_628 = tpu.vector_load %arg12[%get3A_626, %get3A_627] {strides = array<i32>} : memref<100x64xf32, #tpu.memory_space<vmem>>, vector<1x16xf32>,
        %get3A_629 = vector.shape_cast %get3A_628 : vector<1x16xf32> to vector<16xf32>
        %add3A_630 = arith.addf %add3A_604, %get3A_629 : vector<16xf32>
        %get3A_631 = arith.index_cast %add3A_615 : i32 to index
        %get3A_632 = arith.constant 48 : index
        %get3A_633 = tpu.vector_load %arg12[%get3A_631, %get3A_632] {strides = array<i32>} : memref<100x64xf32, #tpu.memory_space<vmem>>, vector<1x16xf32>,
        %get3A_634 = vector.shape_cast %get3A_633 : vector<1x16xf32> to vector<16xf32>
        %add3A_635 = arith.addf %add3A_609, %get3A_634 : vector<16xf32>
        %scan3A_636 = arith.constant 3 : i32
        %scan3A_637 = arith.addi %scan3A_556, %scan3A_636 : i32
        %mul3A_638 = arith.constant 1 : i32
        %mul3A_639 = arith.muli %scan3A_637, %mul3A_638 : i32
        %add3A_640 = arith.constant 0 : i32
        %add3A_641 = arith.addi %add3A_640, %mul3A_639 : i32
        %get3A_642 = arith.index_cast %add3A_641 : i32 to index
        %get3A_643 = arith.constant 0 : index
        %get3A_644 = tpu.vector_load %arg12[%get3A_642, %get3A_643] {strides = array<i32>} : memref<100x64xf32, #tpu.memory_space<vmem>>, vector<1x16xf32>,
        %get3A_645 = vector.shape_cast %get3A_644 : vector<1x16xf32> to vector<16xf32>
        %add3A_646 = arith.addf %add3A_620, %get3A_645 : vector<16xf32>
        %get3A_647 = arith.index_cast %add3A_641 : i32 to index
        %get3A_648 = arith.constant 16 : index
        %get3A_649 = tpu.vector_load %arg12[%get3A_647, %get3A_648] {strides = array<i32>} : memref<100x64xf32, #tpu.memory_space<vmem>>, vector<1x16xf32>,
        %get3A_650 = vector.shape_cast %get3A_649 : vector<1x16xf32> to vector<16xf32>
        %add3A_651 = arith.addf %add3A_625, %get3A_650 : vector<16xf32>
        %get3A_652 = arith.index_cast %add3A_641 : i32 to index
        %get3A_653 = arith.constant 32 : index
        %get3A_654 = tpu.vector_load %arg12[%get3A_652, %get3A_653] {strides = array<i32>} : memref<100x64xf32, #tpu.memory_space<vmem>>, vector<1x16xf32>,
        %get3A_655 = vector.shape_cast %get3A_654 : vector<1x16xf32> to vector<16xf32>
        %add3A_656 = arith.addf %add3A_630, %get3A_655 : vector<16xf32>
        %get3A_657 = arith.index_cast %add3A_641 : i32 to index
        %get3A_658 = arith.constant 48 : index
        %get3A_659 = tpu.vector_load %arg12[%get3A_657, %get3A_658] {strides = array<i32>} : memref<100x64xf32, #tpu.memory_space<vmem>>, vector<1x16xf32>,
        %get3A_660 = vector.shape_cast %get3A_659 : vector<1x16xf32> to vector<16xf32>
        %add3A_661 = arith.addf %add3A_635, %get3A_660 : vector<16xf32>
        scf.yield %add3A_646, %add3A_651, %add3A_656, %add3A_661 : vector<16xf32>, vector<16xf32>, vector<16xf32>, vector<16xf32>
      }
      %scan3A_362 = arith.constant 100 : i32
      %add3A_363 = arith.constant 5 : i32
      %add3A_364 = arith.addi %add3A_80, %add3A_363 : i32
      %sub3A_365 = arith.constant 1 : i32
      %sub3A_366 = arith.subi %add3A_364, %sub3A_365 : i32
      %jit3A_367 = arith.constant 2 : i32
      %div3A_368 = arith.divsi %sub3A_366, %jit3A_367 : i32
      %sign3A_369 = arith.constant 0 : i32
      %sign3A_370 = arith.cmpi sgt, %sub3A_366, %sign3A_369 : i32
      %sign3A_371 = arith.extui %sign3A_370 : i1 to i32
      %sign3A_372 = arith.constant 0 : i32
      %sign3A_373 = arith.cmpi slt, %sub3A_366, %sign3A_372 : i32
      %sign3A_374 = arith.extui %sign3A_373 : i1 to i32
      %sign3A_375 = arith.subi %sign3A_371, %sign3A_374 : i32
      %sign3A_376 = arith.constant 0 : i32
      %sign3A_377 = arith.cmpi sgt, %jit3A_367, %sign3A_376 : i32
      %sign3A_378 = arith.extui %sign3A_377 : i1 to i32
      %sign3A_379 = arith.constant 0 : i32
      %sign3A_380 = arith.cmpi slt, %jit3A_367, %sign3A_379 : i32
      %sign3A_381 = arith.extui %sign3A_380 : i1 to i32
      %sign3A_382 = arith.subi %sign3A_378, %sign3A_381 : i32
      %ne3A_383 = arith.cmpi ne, %sign3A_375, %sign3A_382 : i32
      %rem3A_384 = arith.remsi %sub3A_366, %jit3A_367 : i32
      %ne3A_385 = arith.constant 0 : i32
      %ne3A_386 = arith.cmpi ne, %rem3A_384, %ne3A_385 : i32
      %and3A_387 = arith.andi %ne3A_383, %ne3A_386 : i1
      %sub3A_388 = arith.constant 1 : i32
      %sub3A_389 = arith.subi %div3A_368, %sub3A_388 : i32
      %select_n3A_390 = arith.select %and3A_387, %sub3A_389, %div3A_368 : i32
      %swap3A_391 = arith.index_cast %select_n3A_390 : i32 to index
      %swap3A_392 = arith.constant 0 : index
      %swap3A_393 = tpu.vector_load %arg15[%swap3A_391, %swap3A_392] {strides = array<i32>} : memref<32x64xf32, #tpu.memory_space<vmem>>, vector<1x16xf32>,
      %swap3A_394 = vector.shape_cast %swap3A_393 : vector<1x16xf32> to vector<16xf32>
      %swap3A_395 = vector.shape_cast %scan3A_361#0 : vector<16xf32> to vector<1x16xf32>
      tpu.vector_store %arg15[%swap3A_391, %swap3A_392], %swap3A_395 {strides = array<i32>} : memref<32x64xf32, #tpu.memory_space<vmem>>, vector<1x16xf32>,
      %swap3A_396 = arith.index_cast %select_n3A_390 : i32 to index
      %swap3A_397 = arith.constant 16 : index
      %swap3A_398 = tpu.vector_load %arg15[%swap3A_396, %swap3A_397] {strides = array<i32>} : memref<32x64xf32, #tpu.memory_space<vmem>>, vector<1x16xf32>,
      %swap3A_399 = vector.shape_cast %swap3A_398 : vector<1x16xf32> to vector<16xf32>
      %swap3A_400 = vector.shape_cast %scan3A_361#1 : vector<16xf32> to vector<1x16xf32>
      tpu.vector_store %arg15[%swap3A_396, %swap3A_397], %swap3A_400 {strides = array<i32>} : memref<32x64xf32, #tpu.memory_space<vmem>>, vector<1x16xf32>,
      %swap3A_401 = arith.index_cast %select_n3A_390 : i32 to index
      %swap3A_402 = arith.constant 32 : index
      %swap3A_403 = tpu.vector_load %arg15[%swap3A_401, %swap3A_402] {strides = array<i32>} : memref<32x64xf32, #tpu.memory_space<vmem>>, vector<1x16xf32>,
      %swap3A_404 = vector.shape_cast %swap3A_403 : vector<1x16xf32> to vector<16xf32>
      %swap3A_405 = vector.shape_cast %scan3A_361#2 : vector<16xf32> to vector<1x16xf32>
      tpu.vector_store %arg15[%swap3A_401, %swap3A_402], %swap3A_405 {strides = array<i32>} : memref<32x64xf32, #tpu.memory_space<vmem>>, vector<1x16xf32>,
      %swap3A_406 = arith.index_cast %select_n3A_390 : i32 to index
      %swap3A_407 = arith.constant 48 : index
      %swap3A_408 = tpu.vector_load %arg15[%swap3A_406, %swap3A_407] {strides = array<i32>} : memref<32x64xf32, #tpu.memory_space<vmem>>, vector<1x16xf32>,
      %swap3A_409 = vector.shape_cast %swap3A_408 : vector<1x16xf32> to vector<16xf32>
      %swap3A_410 = vector.shape_cast %scan3A_361#3 : vector<16xf32> to vector<1x16xf32>
      tpu.vector_store %arg15[%swap3A_406, %swap3A_407], %swap3A_410 {strides = array<i32>} : memref<32x64xf32, #tpu.memory_space<vmem>>, vector<1x16xf32>,
      %add3A_411 = arith.addi %mul3A_2, %add3A_350 : i32
      %dma_start3A_412 = arith.constant 0 : i32
      %dma_start3A_413 = arith.constant 0 : i32
      %dma_start3A_414 = tpu.memref_slice %arg4[%add3A_411, %dma_start3A_412, %dma_start3A_413] : memref<2048x100x64xf32, #tpu.memory_space<hbm>> -> memref<1x100x64xf32, #tpu.memory_space<hbm>>
      %dma_start3A_415 = tpu.memref_squeeze %dma_start3A_414 : memref<1x100x64xf32, #tpu.memory_space<hbm>> -> memref<100x64xf32, #tpu.memory_space<hbm>>
      %dma_start3A_416 = arith.constant 0 : i32
      %dma_start3A_417 = arith.constant 0 : i32
      %dma_start3A_418 = tpu.memref_slice %arg4[%add3A_411, %dma_start3A_416, %dma_start3A_417] : memref<2048x100x64xf32, #tpu.memory_space<hbm>> -> memref<1x100x64xf32, #tpu.memory_space<hbm>>
      %dma_start3A_419 = tpu.memref_squeeze %dma_start3A_418 : memref<1x100x64xf32, #tpu.memory_space<hbm>> -> memref<100x64xf32, #tpu.memory_space<hbm>>
      tpu.enqueue_dma source(%arg12 : memref<100x64xf32, #tpu.memory_space<vmem>>) target(%dma_start3A_419 : memref<100x64xf32, #tpu.memory_space<hbm>>) target_semaphore(%arg29 : memref<!tpu.dma_semaphore, #tpu.memory_space<semaphore_mem>>)
      %add3A_420 = arith.constant 4 : i32
      %add3A_421 = arith.addi %add3A_350, %add3A_420 : i32
      %sub3A_422 = arith.constant 8 : i32
      %sub3A_423 = arith.subi %add3A_421, %sub3A_422 : i32
      %ge3A_424 = arith.constant 0 : i32
      %ge3A_425 = arith.cmpi sge, %sub3A_423, %ge3A_424 : i32
      %convert_element_type3A_426 = arith.extui %ge3A_425 : i1 to i32
      %cond3A_427 = arith.constant 0 : i32
      %cond3A_428 = arith.cmpi ne, %convert_element_type3A_426, %cond3A_427 : i32
      scf.if %cond3A_428 {
        %add3A_556 = arith.addi %mul3A_2, %add3A_421 : i32
        %sub3A_557 = arith.constant 8 : i32
        %sub3A_558 = arith.subi %add3A_556, %sub3A_557 : i32
        %dma_wait3A_559 = arith.constant 0 : i32
        %dma_wait3A_560 = arith.constant 0 : i32
        %dma_wait3A_561 = tpu.memref_slice %arg4[%sub3A_558, %dma_wait3A_559, %dma_wait3A_560] : memref<2048x100x64xf32, #tpu.memory_space<hbm>> -> memref<1x100x64xf32, #tpu.memory_space<hbm>>
        %dma_wait3A_562 = tpu.memref_squeeze %dma_wait3A_561 : memref<1x100x64xf32, #tpu.memory_space<hbm>> -> memref<100x64xf32, #tpu.memory_space<hbm>>
        %dma_wait3A_563 = arith.constant 0 : i32
        %dma_wait3A_564 = arith.constant 0 : i32
        %dma_wait3A_565 = tpu.memref_slice %arg4[%sub3A_558, %dma_wait3A_563, %dma_wait3A_564] : memref<2048x100x64xf32, #tpu.memory_space<hbm>> -> memref<1x100x64xf32, #tpu.memory_space<hbm>>
        %dma_wait3A_566 = tpu.memref_squeeze %dma_wait3A_565 : memref<1x100x64xf32, #tpu.memory_space<hbm>> -> memref<100x64xf32, #tpu.memory_space<hbm>>
        tpu.wait_dma2 semaphore(%arg25 : memref<!tpu.dma_semaphore, #tpu.memory_space<semaphore_mem>>) src(%arg8 : memref<100x64xf32, #tpu.memory_space<vmem>>) dst(%dma_wait3A_566 : memref<100x64xf32, #tpu.memory_space<hbm>>)
      } else {
      }
      %lt3A_429 = arith.constant 64 : i32
      %lt3A_430 = arith.cmpi slt, %add3A_421, %lt3A_429 : i32
      %convert_element_type3A_431 = arith.extui %lt3A_430 : i1 to i32
      %cond3A_432 = arith.constant 0 : i32
      %cond3A_433 = arith.cmpi ne, %convert_element_type3A_431, %cond3A_432 : i32
      scf.if %cond3A_433 {
        %dma_start3A_556 = arith.constant 0 : i32
        %dma_start3A_557 = tpu.memref_slice %arg6[%add3A_421, %dma_start3A_556] : memref<64x100xi32, #tpu.memory_space<vmem>> -> memref<1x100xi32, #tpu.memory_space<vmem>>
        %dma_start3A_558 = tpu.memref_squeeze %dma_start3A_557 : memref<1x100xi32, #tpu.memory_space<vmem>> -> memref<100xi32, #tpu.memory_space<vmem>>
        %dma_start3A_559 = arith.constant 0 : i32
        %dma_start3A_560 = arith.constant 0 : i32
        %dma_start3A_561 = tpu.memref_slice %arg2[%dma_start3A_559, %dma_start3A_560] : memref<1000000x64xf32, #tpu.memory_space<hbm>> -> memref<1000000x64xf32, #tpu.memory_space<hbm>>
        tpu.enqueue_indirect_dma source(%dma_start3A_561 : memref<1000000x64xf32, #tpu.memory_space<hbm>>) target(%arg8 : memref<100x64xf32, #tpu.memory_space<vmem>>) offsets(%dma_start3A_558 : memref<100xi32, #tpu.memory_space<vmem>>) semaphore(%arg17 : memref<!tpu.dma_semaphore, #tpu.memory_space<semaphore_mem>>)
      } else {
      }
      %add3A_434 = arith.constant 6 : i32
      %add3A_435 = arith.addi %add3A_80, %add3A_434 : i32
      %dma_wait3A_436 = arith.constant 0 : i32
      %dma_wait3A_437 = tpu.memref_slice %arg6[%add3A_435, %dma_wait3A_436] : memref<64x100xi32, #tpu.memory_space<vmem>> -> memref<1x100xi32, #tpu.memory_space<vmem>>
      %dma_wait3A_438 = tpu.memref_squeeze %dma_wait3A_437 : memref<1x100xi32, #tpu.memory_space<vmem>> -> memref<100xi32, #tpu.memory_space<vmem>>
      %dma_wait3A_439 = arith.constant 0 : i32
      %dma_wait3A_440 = arith.constant 0 : i32
      %dma_wait3A_441 = tpu.memref_slice %arg2[%dma_wait3A_439, %dma_wait3A_440] : memref<1000000x64xf32, #tpu.memory_space<hbm>> -> memref<1000000x64xf32, #tpu.memory_space<hbm>>
      tpu.wait_indirect_dma semaphore(%arg22 : memref<!tpu.dma_semaphore, #tpu.memory_space<semaphore_mem>>) src(%dma_wait3A_441 : memref<1000000x64xf32, #tpu.memory_space<hbm>>) dst(%arg13 : memref<100x64xf32, #tpu.memory_space<vmem>>)
      %scan3A_442 = arith.constant 0 : i32
      %scan3A_443 = arith.constant 100 : i32
      %scan3A_444 = arith.addi %scan3A_442, %scan3A_443 : i32
      %scan3A_445 = arith.constant 4 : i32
      %scan3A_446:4 = scf.for %scan3A_556 = %scan3A_442 to %scan3A_444 step %scan3A_445 iter_args(%scan3A_557 = %broadcast_in_dim3A_5, %scan3A_558 = %broadcast_in_dim3A_5, %scan3A_559 = %broadcast_in_dim3A_5, %scan3A_560 = %broadcast_in_dim3A_5) -> (vector<16xf32>, vector<16xf32>, vector<16xf32>, vector<16xf32>)  : i32 {
        %mul3A_561 = arith.constant 1 : i32
        %mul3A_562 = arith.muli %scan3A_556, %mul3A_561 : i32
        %add3A_563 = arith.constant 0 : i32
        %add3A_564 = arith.addi %add3A_563, %mul3A_562 : i32
        %get3A = arith.index_cast %add3A_564 : i32 to index
        %get3A_565 = arith.constant 0 : index
        %get3A_566 = tpu.vector_load %arg13[%get3A, %get3A_565] {strides = array<i32>} : memref<100x64xf32, #tpu.memory_space<vmem>>, vector<1x16xf32>,
        %get3A_567 = vector.shape_cast %get3A_566 : vector<1x16xf32> to vector<16xf32>
        %add3A_568 = arith.addf %scan3A_557, %get3A_567 : vector<16xf32>
        %get3A_569 = arith.index_cast %add3A_564 : i32 to index
        %get3A_570 = arith.constant 16 : index
        %get3A_571 = tpu.vector_load %arg13[%get3A_569, %get3A_570] {strides = array<i32>} : memref<100x64xf32, #tpu.memory_space<vmem>>, vector<1x16xf32>,
        %get3A_572 = vector.shape_cast %get3A_571 : vector<1x16xf32> to vector<16xf32>
        %add3A_573 = arith.addf %scan3A_558, %get3A_572 : vector<16xf32>
        %get3A_574 = arith.index_cast %add3A_564 : i32 to index
        %get3A_575 = arith.constant 32 : index
        %get3A_576 = tpu.vector_load %arg13[%get3A_574, %get3A_575] {strides = array<i32>} : memref<100x64xf32, #tpu.memory_space<vmem>>, vector<1x16xf32>,
        %get3A_577 = vector.shape_cast %get3A_576 : vector<1x16xf32> to vector<16xf32>
        %add3A_578 = arith.addf %scan3A_559, %get3A_577 : vector<16xf32>
        %get3A_579 = arith.index_cast %add3A_564 : i32 to index
        %get3A_580 = arith.constant 48 : index
        %get3A_581 = tpu.vector_load %arg13[%get3A_579, %get3A_580] {strides = array<i32>} : memref<100x64xf32, #tpu.memory_space<vmem>>, vector<1x16xf32>,
        %get3A_582 = vector.shape_cast %get3A_581 : vector<1x16xf32> to vector<16xf32>
        %add3A_583 = arith.addf %scan3A_560, %get3A_582 : vector<16xf32>
        %scan3A_584 = arith.constant 1 : i32
        %scan3A_585 = arith.addi %scan3A_556, %scan3A_584 : i32
        %mul3A_586 = arith.constant 1 : i32
        %mul3A_587 = arith.muli %scan3A_585, %mul3A_586 : i32
        %add3A_588 = arith.constant 0 : i32
        %add3A_589 = arith.addi %add3A_588, %mul3A_587 : i32
        %get3A_590 = arith.index_cast %add3A_589 : i32 to index
        %get3A_591 = arith.constant 0 : index
        %get3A_592 = tpu.vector_load %arg13[%get3A_590, %get3A_591] {strides = array<i32>} : memref<100x64xf32, #tpu.memory_space<vmem>>, vector<1x16xf32>,
        %get3A_593 = vector.shape_cast %get3A_592 : vector<1x16xf32> to vector<16xf32>
        %add3A_594 = arith.addf %add3A_568, %get3A_593 : vector<16xf32>
        %get3A_595 = arith.index_cast %add3A_589 : i32 to index
        %get3A_596 = arith.constant 16 : index
        %get3A_597 = tpu.vector_load %arg13[%get3A_595, %get3A_596] {strides = array<i32>} : memref<100x64xf32, #tpu.memory_space<vmem>>, vector<1x16xf32>,
        %get3A_598 = vector.shape_cast %get3A_597 : vector<1x16xf32> to vector<16xf32>
        %add3A_599 = arith.addf %add3A_573, %get3A_598 : vector<16xf32>
        %get3A_600 = arith.index_cast %add3A_589 : i32 to index
        %get3A_601 = arith.constant 32 : index
        %get3A_602 = tpu.vector_load %arg13[%get3A_600, %get3A_601] {strides = array<i32>} : memref<100x64xf32, #tpu.memory_space<vmem>>, vector<1x16xf32>,
        %get3A_603 = vector.shape_cast %get3A_602 : vector<1x16xf32> to vector<16xf32>
        %add3A_604 = arith.addf %add3A_578, %get3A_603 : vector<16xf32>
        %get3A_605 = arith.index_cast %add3A_589 : i32 to index
        %get3A_606 = arith.constant 48 : index
        %get3A_607 = tpu.vector_load %arg13[%get3A_605, %get3A_606] {strides = array<i32>} : memref<100x64xf32, #tpu.memory_space<vmem>>, vector<1x16xf32>,
        %get3A_608 = vector.shape_cast %get3A_607 : vector<1x16xf32> to vector<16xf32>
        %add3A_609 = arith.addf %add3A_583, %get3A_608 : vector<16xf32>
        %scan3A_610 = arith.constant 2 : i32
        %scan3A_611 = arith.addi %scan3A_556, %scan3A_610 : i32
        %mul3A_612 = arith.constant 1 : i32
        %mul3A_613 = arith.muli %scan3A_611, %mul3A_612 : i32
        %add3A_614 = arith.constant 0 : i32
        %add3A_615 = arith.addi %add3A_614, %mul3A_613 : i32
        %get3A_616 = arith.index_cast %add3A_615 : i32 to index
        %get3A_617 = arith.constant 0 : index
        %get3A_618 = tpu.vector_load %arg13[%get3A_616, %get3A_617] {strides = array<i32>} : memref<100x64xf32, #tpu.memory_space<vmem>>, vector<1x16xf32>,
        %get3A_619 = vector.shape_cast %get3A_618 : vector<1x16xf32> to vector<16xf32>
        %add3A_620 = arith.addf %add3A_594, %get3A_619 : vector<16xf32>
        %get3A_621 = arith.index_cast %add3A_615 : i32 to index
        %get3A_622 = arith.constant 16 : index
        %get3A_623 = tpu.vector_load %arg13[%get3A_621, %get3A_622] {strides = array<i32>} : memref<100x64xf32, #tpu.memory_space<vmem>>, vector<1x16xf32>,
        %get3A_624 = vector.shape_cast %get3A_623 : vector<1x16xf32> to vector<16xf32>
        %add3A_625 = arith.addf %add3A_599, %get3A_624 : vector<16xf32>
        %get3A_626 = arith.index_cast %add3A_615 : i32 to index
        %get3A_627 = arith.constant 32 : index
        %get3A_628 = tpu.vector_load %arg13[%get3A_626, %get3A_627] {strides = array<i32>} : memref<100x64xf32, #tpu.memory_space<vmem>>, vector<1x16xf32>,
        %get3A_629 = vector.shape_cast %get3A_628 : vector<1x16xf32> to vector<16xf32>
        %add3A_630 = arith.addf %add3A_604, %get3A_629 : vector<16xf32>
        %get3A_631 = arith.index_cast %add3A_615 : i32 to index
        %get3A_632 = arith.constant 48 : index
        %get3A_633 = tpu.vector_load %arg13[%get3A_631, %get3A_632] {strides = array<i32>} : memref<100x64xf32, #tpu.memory_space<vmem>>, vector<1x16xf32>,
        %get3A_634 = vector.shape_cast %get3A_633 : vector<1x16xf32> to vector<16xf32>
        %add3A_635 = arith.addf %add3A_609, %get3A_634 : vector<16xf32>
        %scan3A_636 = arith.constant 3 : i32
        %scan3A_637 = arith.addi %scan3A_556, %scan3A_636 : i32
        %mul3A_638 = arith.constant 1 : i32
        %mul3A_639 = arith.muli %scan3A_637, %mul3A_638 : i32
        %add3A_640 = arith.constant 0 : i32
        %add3A_641 = arith.addi %add3A_640, %mul3A_639 : i32
        %get3A_642 = arith.index_cast %add3A_641 : i32 to index
        %get3A_643 = arith.constant 0 : index
        %get3A_644 = tpu.vector_load %arg13[%get3A_642, %get3A_643] {strides = array<i32>} : memref<100x64xf32, #tpu.memory_space<vmem>>, vector<1x16xf32>,
        %get3A_645 = vector.shape_cast %get3A_644 : vector<1x16xf32> to vector<16xf32>
        %add3A_646 = arith.addf %add3A_620, %get3A_645 : vector<16xf32>
        %get3A_647 = arith.index_cast %add3A_641 : i32 to index
        %get3A_648 = arith.constant 16 : index
        %get3A_649 = tpu.vector_load %arg13[%get3A_647, %get3A_648] {strides = array<i32>} : memref<100x64xf32, #tpu.memory_space<vmem>>, vector<1x16xf32>,
        %get3A_650 = vector.shape_cast %get3A_649 : vector<1x16xf32> to vector<16xf32>
        %add3A_651 = arith.addf %add3A_625, %get3A_650 : vector<16xf32>
        %get3A_652 = arith.index_cast %add3A_641 : i32 to index
        %get3A_653 = arith.constant 32 : index
        %get3A_654 = tpu.vector_load %arg13[%get3A_652, %get3A_653] {strides = array<i32>} : memref<100x64xf32, #tpu.memory_space<vmem>>, vector<1x16xf32>,
        %get3A_655 = vector.shape_cast %get3A_654 : vector<1x16xf32> to vector<16xf32>
        %add3A_656 = arith.addf %add3A_630, %get3A_655 : vector<16xf32>
        %get3A_657 = arith.index_cast %add3A_641 : i32 to index
        %get3A_658 = arith.constant 48 : index
        %get3A_659 = tpu.vector_load %arg13[%get3A_657, %get3A_658] {strides = array<i32>} : memref<100x64xf32, #tpu.memory_space<vmem>>, vector<1x16xf32>,
        %get3A_660 = vector.shape_cast %get3A_659 : vector<1x16xf32> to vector<16xf32>
        %add3A_661 = arith.addf %add3A_635, %get3A_660 : vector<16xf32>
        scf.yield %add3A_646, %add3A_651, %add3A_656, %add3A_661 : vector<16xf32>, vector<16xf32>, vector<16xf32>, vector<16xf32>
      }
      %scan3A_447 = arith.constant 100 : i32
      %add3A_448 = arith.addi %mul3A_2, %add3A_435 : i32
      %dma_start3A_449 = arith.constant 0 : i32
      %dma_start3A_450 = arith.constant 0 : i32
      %dma_start3A_451 = tpu.memref_slice %arg4[%add3A_448, %dma_start3A_449, %dma_start3A_450] : memref<2048x100x64xf32, #tpu.memory_space<hbm>> -> memref<1x100x64xf32, #tpu.memory_space<hbm>>
      %dma_start3A_452 = tpu.memref_squeeze %dma_start3A_451 : memref<1x100x64xf32, #tpu.memory_space<hbm>> -> memref<100x64xf32, #tpu.memory_space<hbm>>
      %dma_start3A_453 = arith.constant 0 : i32
      %dma_start3A_454 = arith.constant 0 : i32
      %dma_start3A_455 = tpu.memref_slice %arg4[%add3A_448, %dma_start3A_453, %dma_start3A_454] : memref<2048x100x64xf32, #tpu.memory_space<hbm>> -> memref<1x100x64xf32, #tpu.memory_space<hbm>>
      %dma_start3A_456 = tpu.memref_squeeze %dma_start3A_455 : memref<1x100x64xf32, #tpu.memory_space<hbm>> -> memref<100x64xf32, #tpu.memory_space<hbm>>
      tpu.enqueue_dma source(%arg13 : memref<100x64xf32, #tpu.memory_space<vmem>>) target(%dma_start3A_456 : memref<100x64xf32, #tpu.memory_space<hbm>>) target_semaphore(%arg30 : memref<!tpu.dma_semaphore, #tpu.memory_space<semaphore_mem>>)
      %add3A_457 = arith.constant 4 : i32
      %add3A_458 = arith.addi %add3A_435, %add3A_457 : i32
      %sub3A_459 = arith.constant 8 : i32
      %sub3A_460 = arith.subi %add3A_458, %sub3A_459 : i32
      %ge3A_461 = arith.constant 0 : i32
      %ge3A_462 = arith.cmpi sge, %sub3A_460, %ge3A_461 : i32
      %convert_element_type3A_463 = arith.extui %ge3A_462 : i1 to i32
      %cond3A_464 = arith.constant 0 : i32
      %cond3A_465 = arith.cmpi ne, %convert_element_type3A_463, %cond3A_464 : i32
      scf.if %cond3A_465 {
        %add3A_556 = arith.addi %mul3A_2, %add3A_458 : i32
        %sub3A_557 = arith.constant 8 : i32
        %sub3A_558 = arith.subi %add3A_556, %sub3A_557 : i32
        %dma_wait3A_559 = arith.constant 0 : i32
        %dma_wait3A_560 = arith.constant 0 : i32
        %dma_wait3A_561 = tpu.memref_slice %arg4[%sub3A_558, %dma_wait3A_559, %dma_wait3A_560] : memref<2048x100x64xf32, #tpu.memory_space<hbm>> -> memref<1x100x64xf32, #tpu.memory_space<hbm>>
        %dma_wait3A_562 = tpu.memref_squeeze %dma_wait3A_561 : memref<1x100x64xf32, #tpu.memory_space<hbm>> -> memref<100x64xf32, #tpu.memory_space<hbm>>
        %dma_wait3A_563 = arith.constant 0 : i32
        %dma_wait3A_564 = arith.constant 0 : i32
        %dma_wait3A_565 = tpu.memref_slice %arg4[%sub3A_558, %dma_wait3A_563, %dma_wait3A_564] : memref<2048x100x64xf32, #tpu.memory_space<hbm>> -> memref<1x100x64xf32, #tpu.memory_space<hbm>>
        %dma_wait3A_566 = tpu.memref_squeeze %dma_wait3A_565 : memref<1x100x64xf32, #tpu.memory_space<hbm>> -> memref<100x64xf32, #tpu.memory_space<hbm>>
        tpu.wait_dma2 semaphore(%arg26 : memref<!tpu.dma_semaphore, #tpu.memory_space<semaphore_mem>>) src(%arg9 : memref<100x64xf32, #tpu.memory_space<vmem>>) dst(%dma_wait3A_566 : memref<100x64xf32, #tpu.memory_space<hbm>>)
      } else {
      }
      %lt3A_466 = arith.constant 64 : i32
      %lt3A_467 = arith.cmpi slt, %add3A_458, %lt3A_466 : i32
      %convert_element_type3A_468 = arith.extui %lt3A_467 : i1 to i32
      %cond3A_469 = arith.constant 0 : i32
      %cond3A_470 = arith.cmpi ne, %convert_element_type3A_468, %cond3A_469 : i32
      scf.if %cond3A_470 {
        %dma_start3A_556 = arith.constant 0 : i32
        %dma_start3A_557 = tpu.memref_slice %arg6[%add3A_458, %dma_start3A_556] : memref<64x100xi32, #tpu.memory_space<vmem>> -> memref<1x100xi32, #tpu.memory_space<vmem>>
        %dma_start3A_558 = tpu.memref_squeeze %dma_start3A_557 : memref<1x100xi32, #tpu.memory_space<vmem>> -> memref<100xi32, #tpu.memory_space<vmem>>
        %dma_start3A_559 = arith.constant 0 : i32
        %dma_start3A_560 = arith.constant 0 : i32
        %dma_start3A_561 = tpu.memref_slice %arg2[%dma_start3A_559, %dma_start3A_560] : memref<1000000x64xf32, #tpu.memory_space<hbm>> -> memref<1000000x64xf32, #tpu.memory_space<hbm>>
        tpu.enqueue_indirect_dma source(%dma_start3A_561 : memref<1000000x64xf32, #tpu.memory_space<hbm>>) target(%arg9 : memref<100x64xf32, #tpu.memory_space<vmem>>) offsets(%dma_start3A_558 : memref<100xi32, #tpu.memory_space<vmem>>) semaphore(%arg18 : memref<!tpu.dma_semaphore, #tpu.memory_space<semaphore_mem>>)
      } else {
      }
      %add3A_471 = arith.constant 7 : i32
      %add3A_472 = arith.addi %add3A_80, %add3A_471 : i32
      %dma_wait3A_473 = arith.constant 0 : i32
      %dma_wait3A_474 = tpu.memref_slice %arg6[%add3A_472, %dma_wait3A_473] : memref<64x100xi32, #tpu.memory_space<vmem>> -> memref<1x100xi32, #tpu.memory_space<vmem>>
      %dma_wait3A_475 = tpu.memref_squeeze %dma_wait3A_474 : memref<1x100xi32, #tpu.memory_space<vmem>> -> memref<100xi32, #tpu.memory_space<vmem>>
      %dma_wait3A_476 = arith.constant 0 : i32
      %dma_wait3A_477 = arith.constant 0 : i32
      %dma_wait3A_478 = tpu.memref_slice %arg2[%dma_wait3A_476, %dma_wait3A_477] : memref<1000000x64xf32, #tpu.memory_space<hbm>> -> memref<1000000x64xf32, #tpu.memory_space<hbm>>
      tpu.wait_indirect_dma semaphore(%arg23 : memref<!tpu.dma_semaphore, #tpu.memory_space<semaphore_mem>>) src(%dma_wait3A_478 : memref<1000000x64xf32, #tpu.memory_space<hbm>>) dst(%arg14 : memref<100x64xf32, #tpu.memory_space<vmem>>)
      %scan3A_479 = arith.constant 0 : i32
      %scan3A_480 = arith.constant 100 : i32
      %scan3A_481 = arith.addi %scan3A_479, %scan3A_480 : i32
      %scan3A_482 = arith.constant 4 : i32
      %scan3A_483:4 = scf.for %scan3A_556 = %scan3A_479 to %scan3A_481 step %scan3A_482 iter_args(%scan3A_557 = %scan3A_446#0, %scan3A_558 = %scan3A_446#1, %scan3A_559 = %scan3A_446#2, %scan3A_560 = %scan3A_446#3) -> (vector<16xf32>, vector<16xf32>, vector<16xf32>, vector<16xf32>)  : i32 {
        %mul3A_561 = arith.constant 1 : i32
        %mul3A_562 = arith.muli %scan3A_556, %mul3A_561 : i32
        %add3A_563 = arith.constant 0 : i32
        %add3A_564 = arith.addi %add3A_563, %mul3A_562 : i32
        %get3A = arith.index_cast %add3A_564 : i32 to index
        %get3A_565 = arith.constant 0 : index
        %get3A_566 = tpu.vector_load %arg14[%get3A, %get3A_565] {strides = array<i32>} : memref<100x64xf32, #tpu.memory_space<vmem>>, vector<1x16xf32>,
        %get3A_567 = vector.shape_cast %get3A_566 : vector<1x16xf32> to vector<16xf32>
        %add3A_568 = arith.addf %scan3A_557, %get3A_567 : vector<16xf32>
        %get3A_569 = arith.index_cast %add3A_564 : i32 to index
        %get3A_570 = arith.constant 16 : index
        %get3A_571 = tpu.vector_load %arg14[%get3A_569, %get3A_570] {strides = array<i32>} : memref<100x64xf32, #tpu.memory_space<vmem>>, vector<1x16xf32>,
        %get3A_572 = vector.shape_cast %get3A_571 : vector<1x16xf32> to vector<16xf32>
        %add3A_573 = arith.addf %scan3A_558, %get3A_572 : vector<16xf32>
        %get3A_574 = arith.index_cast %add3A_564 : i32 to index
        %get3A_575 = arith.constant 32 : index
        %get3A_576 = tpu.vector_load %arg14[%get3A_574, %get3A_575] {strides = array<i32>} : memref<100x64xf32, #tpu.memory_space<vmem>>, vector<1x16xf32>,
        %get3A_577 = vector.shape_cast %get3A_576 : vector<1x16xf32> to vector<16xf32>
        %add3A_578 = arith.addf %scan3A_559, %get3A_577 : vector<16xf32>
        %get3A_579 = arith.index_cast %add3A_564 : i32 to index
        %get3A_580 = arith.constant 48 : index
        %get3A_581 = tpu.vector_load %arg14[%get3A_579, %get3A_580] {strides = array<i32>} : memref<100x64xf32, #tpu.memory_space<vmem>>, vector<1x16xf32>,
        %get3A_582 = vector.shape_cast %get3A_581 : vector<1x16xf32> to vector<16xf32>
        %add3A_583 = arith.addf %scan3A_560, %get3A_582 : vector<16xf32>
        %scan3A_584 = arith.constant 1 : i32
        %scan3A_585 = arith.addi %scan3A_556, %scan3A_584 : i32
        %mul3A_586 = arith.constant 1 : i32
        %mul3A_587 = arith.muli %scan3A_585, %mul3A_586 : i32
        %add3A_588 = arith.constant 0 : i32
        %add3A_589 = arith.addi %add3A_588, %mul3A_587 : i32
        %get3A_590 = arith.index_cast %add3A_589 : i32 to index
        %get3A_591 = arith.constant 0 : index
        %get3A_592 = tpu.vector_load %arg14[%get3A_590, %get3A_591] {strides = array<i32>} : memref<100x64xf32, #tpu.memory_space<vmem>>, vector<1x16xf32>,
        %get3A_593 = vector.shape_cast %get3A_592 : vector<1x16xf32> to vector<16xf32>
        %add3A_594 = arith.addf %add3A_568, %get3A_593 : vector<16xf32>
        %get3A_595 = arith.index_cast %add3A_589 : i32 to index
        %get3A_596 = arith.constant 16 : index
        %get3A_597 = tpu.vector_load %arg14[%get3A_595, %get3A_596] {strides = array<i32>} : memref<100x64xf32, #tpu.memory_space<vmem>>, vector<1x16xf32>,
        %get3A_598 = vector.shape_cast %get3A_597 : vector<1x16xf32> to vector<16xf32>
        %add3A_599 = arith.addf %add3A_573, %get3A_598 : vector<16xf32>
        %get3A_600 = arith.index_cast %add3A_589 : i32 to index
        %get3A_601 = arith.constant 32 : index
        %get3A_602 = tpu.vector_load %arg14[%get3A_600, %get3A_601] {strides = array<i32>} : memref<100x64xf32, #tpu.memory_space<vmem>>, vector<1x16xf32>,
        %get3A_603 = vector.shape_cast %get3A_602 : vector<1x16xf32> to vector<16xf32>
        %add3A_604 = arith.addf %add3A_578, %get3A_603 : vector<16xf32>
        %get3A_605 = arith.index_cast %add3A_589 : i32 to index
        %get3A_606 = arith.constant 48 : index
        %get3A_607 = tpu.vector_load %arg14[%get3A_605, %get3A_606] {strides = array<i32>} : memref<100x64xf32, #tpu.memory_space<vmem>>, vector<1x16xf32>,
        %get3A_608 = vector.shape_cast %get3A_607 : vector<1x16xf32> to vector<16xf32>
        %add3A_609 = arith.addf %add3A_583, %get3A_608 : vector<16xf32>
        %scan3A_610 = arith.constant 2 : i32
        %scan3A_611 = arith.addi %scan3A_556, %scan3A_610 : i32
        %mul3A_612 = arith.constant 1 : i32
        %mul3A_613 = arith.muli %scan3A_611, %mul3A_612 : i32
        %add3A_614 = arith.constant 0 : i32
        %add3A_615 = arith.addi %add3A_614, %mul3A_613 : i32
        %get3A_616 = arith.index_cast %add3A_615 : i32 to index
        %get3A_617 = arith.constant 0 : index
        %get3A_618 = tpu.vector_load %arg14[%get3A_616, %get3A_617] {strides = array<i32>} : memref<100x64xf32, #tpu.memory_space<vmem>>, vector<1x16xf32>,
        %get3A_619 = vector.shape_cast %get3A_618 : vector<1x16xf32> to vector<16xf32>
        %add3A_620 = arith.addf %add3A_594, %get3A_619 : vector<16xf32>
        %get3A_621 = arith.index_cast %add3A_615 : i32 to index
        %get3A_622 = arith.constant 16 : index
        %get3A_623 = tpu.vector_load %arg14[%get3A_621, %get3A_622] {strides = array<i32>} : memref<100x64xf32, #tpu.memory_space<vmem>>, vector<1x16xf32>,
        %get3A_624 = vector.shape_cast %get3A_623 : vector<1x16xf32> to vector<16xf32>
        %add3A_625 = arith.addf %add3A_599, %get3A_624 : vector<16xf32>
        %get3A_626 = arith.index_cast %add3A_615 : i32 to index
        %get3A_627 = arith.constant 32 : index
        %get3A_628 = tpu.vector_load %arg14[%get3A_626, %get3A_627] {strides = array<i32>} : memref<100x64xf32, #tpu.memory_space<vmem>>, vector<1x16xf32>,
        %get3A_629 = vector.shape_cast %get3A_628 : vector<1x16xf32> to vector<16xf32>
        %add3A_630 = arith.addf %add3A_604, %get3A_629 : vector<16xf32>
        %get3A_631 = arith.index_cast %add3A_615 : i32 to index
        %get3A_632 = arith.constant 48 : index
        %get3A_633 = tpu.vector_load %arg14[%get3A_631, %get3A_632] {strides = array<i32>} : memref<100x64xf32, #tpu.memory_space<vmem>>, vector<1x16xf32>,
        %get3A_634 = vector.shape_cast %get3A_633 : vector<1x16xf32> to vector<16xf32>
        %add3A_635 = arith.addf %add3A_609, %get3A_634 : vector<16xf32>
        %scan3A_636 = arith.constant 3 : i32
        %scan3A_637 = arith.addi %scan3A_556, %scan3A_636 : i32
        %mul3A_638 = arith.constant 1 : i32
        %mul3A_639 = arith.muli %scan3A_637, %mul3A_638 : i32
        %add3A_640 = arith.constant 0 : i32
        %add3A_641 = arith.addi %add3A_640, %mul3A_639 : i32
        %get3A_642 = arith.index_cast %add3A_641 : i32 to index
        %get3A_643 = arith.constant 0 : index
        %get3A_644 = tpu.vector_load %arg14[%get3A_642, %get3A_643] {strides = array<i32>} : memref<100x64xf32, #tpu.memory_space<vmem>>, vector<1x16xf32>,
        %get3A_645 = vector.shape_cast %get3A_644 : vector<1x16xf32> to vector<16xf32>
        %add3A_646 = arith.addf %add3A_620, %get3A_645 : vector<16xf32>
        %get3A_647 = arith.index_cast %add3A_641 : i32 to index
        %get3A_648 = arith.constant 16 : index
        %get3A_649 = tpu.vector_load %arg14[%get3A_647, %get3A_648] {strides = array<i32>} : memref<100x64xf32, #tpu.memory_space<vmem>>, vector<1x16xf32>,
        %get3A_650 = vector.shape_cast %get3A_649 : vector<1x16xf32> to vector<16xf32>
        %add3A_651 = arith.addf %add3A_625, %get3A_650 : vector<16xf32>
        %get3A_652 = arith.index_cast %add3A_641 : i32 to index
        %get3A_653 = arith.constant 32 : index
        %get3A_654 = tpu.vector_load %arg14[%get3A_652, %get3A_653] {strides = array<i32>} : memref<100x64xf32, #tpu.memory_space<vmem>>, vector<1x16xf32>,
        %get3A_655 = vector.shape_cast %get3A_654 : vector<1x16xf32> to vector<16xf32>
        %add3A_656 = arith.addf %add3A_630, %get3A_655 : vector<16xf32>
        %get3A_657 = arith.index_cast %add3A_641 : i32 to index
        %get3A_658 = arith.constant 48 : index
        %get3A_659 = tpu.vector_load %arg14[%get3A_657, %get3A_658] {strides = array<i32>} : memref<100x64xf32, #tpu.memory_space<vmem>>, vector<1x16xf32>,
        %get3A_660 = vector.shape_cast %get3A_659 : vector<1x16xf32> to vector<16xf32>
        %add3A_661 = arith.addf %add3A_635, %get3A_660 : vector<16xf32>
        scf.yield %add3A_646, %add3A_651, %add3A_656, %add3A_661 : vector<16xf32>, vector<16xf32>, vector<16xf32>, vector<16xf32>
      }
      %scan3A_484 = arith.constant 100 : i32
      %add3A_485 = arith.constant 7 : i32
      %add3A_486 = arith.addi %add3A_80, %add3A_485 : i32
      %sub3A_487 = arith.constant 1 : i32
      %sub3A_488 = arith.subi %add3A_486, %sub3A_487 : i32
      %jit3A_489 = arith.constant 2 : i32
      %div3A_490 = arith.divsi %sub3A_488, %jit3A_489 : i32
      %sign3A_491 = arith.constant 0 : i32
      %sign3A_492 = arith.cmpi sgt, %sub3A_488, %sign3A_491 : i32
      %sign3A_493 = arith.extui %sign3A_492 : i1 to i32
      %sign3A_494 = arith.constant 0 : i32
      %sign3A_495 = arith.cmpi slt, %sub3A_488, %sign3A_494 : i32
      %sign3A_496 = arith.extui %sign3A_495 : i1 to i32
      %sign3A_497 = arith.subi %sign3A_493, %sign3A_496 : i32
      %sign3A_498 = arith.constant 0 : i32
      %sign3A_499 = arith.cmpi sgt, %jit3A_489, %sign3A_498 : i32
      %sign3A_500 = arith.extui %sign3A_499 : i1 to i32
      %sign3A_501 = arith.constant 0 : i32
      %sign3A_502 = arith.cmpi slt, %jit3A_489, %sign3A_501 : i32
      %sign3A_503 = arith.extui %sign3A_502 : i1 to i32
      %sign3A_504 = arith.subi %sign3A_500, %sign3A_503 : i32
      %ne3A_505 = arith.cmpi ne, %sign3A_497, %sign3A_504 : i32
      %rem3A_506 = arith.remsi %sub3A_488, %jit3A_489 : i32
      %ne3A_507 = arith.constant 0 : i32
      %ne3A_508 = arith.cmpi ne, %rem3A_506, %ne3A_507 : i32
      %and3A_509 = arith.andi %ne3A_505, %ne3A_508 : i1
      %sub3A_510 = arith.constant 1 : i32
      %sub3A_511 = arith.subi %div3A_490, %sub3A_510 : i32
      %select_n3A_512 = arith.select %and3A_509, %sub3A_511, %div3A_490 : i32
      %swap3A_513 = arith.index_cast %select_n3A_512 : i32 to index
      %swap3A_514 = arith.constant 0 : index
      %swap3A_515 = tpu.vector_load %arg15[%swap3A_513, %swap3A_514] {strides = array<i32>} : memref<32x64xf32, #tpu.memory_space<vmem>>, vector<1x16xf32>,
      %swap3A_516 = vector.shape_cast %swap3A_515 : vector<1x16xf32> to vector<16xf32>
      %swap3A_517 = vector.shape_cast %scan3A_483#0 : vector<16xf32> to vector<1x16xf32>
      tpu.vector_store %arg15[%swap3A_513, %swap3A_514], %swap3A_517 {strides = array<i32>} : memref<32x64xf32, #tpu.memory_space<vmem>>, vector<1x16xf32>,
      %swap3A_518 = arith.index_cast %select_n3A_512 : i32 to index
      %swap3A_519 = arith.constant 16 : index
      %swap3A_520 = tpu.vector_load %arg15[%swap3A_518, %swap3A_519] {strides = array<i32>} : memref<32x64xf32, #tpu.memory_space<vmem>>, vector<1x16xf32>,
      %swap3A_521 = vector.shape_cast %swap3A_520 : vector<1x16xf32> to vector<16xf32>
      %swap3A_522 = vector.shape_cast %scan3A_483#1 : vector<16xf32> to vector<1x16xf32>
      tpu.vector_store %arg15[%swap3A_518, %swap3A_519], %swap3A_522 {strides = array<i32>} : memref<32x64xf32, #tpu.memory_space<vmem>>, vector<1x16xf32>,
      %swap3A_523 = arith.index_cast %select_n3A_512 : i32 to index
      %swap3A_524 = arith.constant 32 : index
      %swap3A_525 = tpu.vector_load %arg15[%swap3A_523, %swap3A_524] {strides = array<i32>} : memref<32x64xf32, #tpu.memory_space<vmem>>, vector<1x16xf32>,
      %swap3A_526 = vector.shape_cast %swap3A_525 : vector<1x16xf32> to vector<16xf32>
      %swap3A_527 = vector.shape_cast %scan3A_483#2 : vector<16xf32> to vector<1x16xf32>
      tpu.vector_store %arg15[%swap3A_523, %swap3A_524], %swap3A_527 {strides = array<i32>} : memref<32x64xf32, #tpu.memory_space<vmem>>, vector<1x16xf32>,
      %swap3A_528 = arith.index_cast %select_n3A_512 : i32 to index
      %swap3A_529 = arith.constant 48 : index
      %swap3A_530 = tpu.vector_load %arg15[%swap3A_528, %swap3A_529] {strides = array<i32>} : memref<32x64xf32, #tpu.memory_space<vmem>>, vector<1x16xf32>,
      %swap3A_531 = vector.shape_cast %swap3A_530 : vector<1x16xf32> to vector<16xf32>
      %swap3A_532 = vector.shape_cast %scan3A_483#3 : vector<16xf32> to vector<1x16xf32>
      tpu.vector_store %arg15[%swap3A_528, %swap3A_529], %swap3A_532 {strides = array<i32>} : memref<32x64xf32, #tpu.memory_space<vmem>>, vector<1x16xf32>,
      %add3A_533 = arith.addi %mul3A_2, %add3A_472 : i32
      %dma_start3A_534 = arith.constant 0 : i32
      %dma_start3A_535 = arith.constant 0 : i32
      %dma_start3A_536 = tpu.memref_slice %arg4[%add3A_533, %dma_start3A_534, %dma_start3A_535] : memref<2048x100x64xf32, #tpu.memory_space<hbm>> -> memref<1x100x64xf32, #tpu.memory_space<hbm>>
      %dma_start3A_537 = tpu.memref_squeeze %dma_start3A_536 : memref<1x100x64xf32, #tpu.memory_space<hbm>> -> memref<100x64xf32, #tpu.memory_space<hbm>>
      %dma_start3A_538 = arith.constant 0 : i32
      %dma_start3A_539 = arith.constant 0 : i32
      %dma_start3A_540 = tpu.memref_slice %arg4[%add3A_533, %dma_start3A_538, %dma_start3A_539] : memref<2048x100x64xf32, #tpu.memory_space<hbm>> -> memref<1x100x64xf32, #tpu.memory_space<hbm>>
      %dma_start3A_541 = tpu.memref_squeeze %dma_start3A_540 : memref<1x100x64xf32, #tpu.memory_space<hbm>> -> memref<100x64xf32, #tpu.memory_space<hbm>>
      tpu.enqueue_dma source(%arg14 : memref<100x64xf32, #tpu.memory_space<vmem>>) target(%dma_start3A_541 : memref<100x64xf32, #tpu.memory_space<hbm>>) target_semaphore(%arg31 : memref<!tpu.dma_semaphore, #tpu.memory_space<semaphore_mem>>)
      %add3A_542 = arith.constant 4 : i32
      %add3A_543 = arith.addi %add3A_472, %add3A_542 : i32
      %sub3A_544 = arith.constant 8 : i32
      %sub3A_545 = arith.subi %add3A_543, %sub3A_544 : i32
      %ge3A_546 = arith.constant 0 : i32
      %ge3A_547 = arith.cmpi sge, %sub3A_545, %ge3A_546 : i32
      %convert_element_type3A_548 = arith.extui %ge3A_547 : i1 to i32
      %cond3A_549 = arith.constant 0 : i32
      %cond3A_550 = arith.cmpi ne, %convert_element_type3A_548, %cond3A_549 : i32
      scf.if %cond3A_550 {
        %add3A_556 = arith.addi %mul3A_2, %add3A_543 : i32
        %sub3A_557 = arith.constant 8 : i32
        %sub3A_558 = arith.subi %add3A_556, %sub3A_557 : i32
        %dma_wait3A_559 = arith.constant 0 : i32
        %dma_wait3A_560 = arith.constant 0 : i32
        %dma_wait3A_561 = tpu.memref_slice %arg4[%sub3A_558, %dma_wait3A_559, %dma_wait3A_560] : memref<2048x100x64xf32, #tpu.memory_space<hbm>> -> memref<1x100x64xf32, #tpu.memory_space<hbm>>
        %dma_wait3A_562 = tpu.memref_squeeze %dma_wait3A_561 : memref<1x100x64xf32, #tpu.memory_space<hbm>> -> memref<100x64xf32, #tpu.memory_space<hbm>>
        %dma_wait3A_563 = arith.constant 0 : i32
        %dma_wait3A_564 = arith.constant 0 : i32
        %dma_wait3A_565 = tpu.memref_slice %arg4[%sub3A_558, %dma_wait3A_563, %dma_wait3A_564] : memref<2048x100x64xf32, #tpu.memory_space<hbm>> -> memref<1x100x64xf32, #tpu.memory_space<hbm>>
        %dma_wait3A_566 = tpu.memref_squeeze %dma_wait3A_565 : memref<1x100x64xf32, #tpu.memory_space<hbm>> -> memref<100x64xf32, #tpu.memory_space<hbm>>
        tpu.wait_dma2 semaphore(%arg27 : memref<!tpu.dma_semaphore, #tpu.memory_space<semaphore_mem>>) src(%arg10 : memref<100x64xf32, #tpu.memory_space<vmem>>) dst(%dma_wait3A_566 : memref<100x64xf32, #tpu.memory_space<hbm>>)
      } else {
      }
      %lt3A_551 = arith.constant 64 : i32
      %lt3A_552 = arith.cmpi slt, %add3A_543, %lt3A_551 : i32
      %convert_element_type3A_553 = arith.extui %lt3A_552 : i1 to i32
      %cond3A_554 = arith.constant 0 : i32
      %cond3A_555 = arith.cmpi ne, %convert_element_type3A_553, %cond3A_554 : i32
      scf.if %cond3A_555 {
        %dma_start3A_556 = arith.constant 0 : i32
        %dma_start3A_557 = tpu.memref_slice %arg6[%add3A_543, %dma_start3A_556] : memref<64x100xi32, #tpu.memory_space<vmem>> -> memref<1x100xi32, #tpu.memory_space<vmem>>
        %dma_start3A_558 = tpu.memref_squeeze %dma_start3A_557 : memref<1x100xi32, #tpu.memory_space<vmem>> -> memref<100xi32, #tpu.memory_space<vmem>>
        %dma_start3A_559 = arith.constant 0 : i32
        %dma_start3A_560 = arith.constant 0 : i32
        %dma_start3A_561 = tpu.memref_slice %arg2[%dma_start3A_559, %dma_start3A_560] : memref<1000000x64xf32, #tpu.memory_space<hbm>> -> memref<1000000x64xf32, #tpu.memory_space<hbm>>
        tpu.enqueue_indirect_dma source(%dma_start3A_561 : memref<1000000x64xf32, #tpu.memory_space<hbm>>) target(%arg10 : memref<100x64xf32, #tpu.memory_space<vmem>>) offsets(%dma_start3A_558 : memref<100xi32, #tpu.memory_space<vmem>>) semaphore(%arg19 : memref<!tpu.dma_semaphore, #tpu.memory_space<semaphore_mem>>)
      } else {
      }
    }
    %scan3A_36 = arith.constant 8 : i32
    %add3A_37 = arith.constant 60 : i32
    %add3A_38 = arith.addi %mul3A_2, %add3A_37 : i32
    %dma_wait3A = arith.constant 0 : i32
    %dma_wait3A_39 = arith.constant 0 : i32
    %dma_wait3A_40 = tpu.memref_slice %arg4[%add3A_38, %dma_wait3A, %dma_wait3A_39] : memref<2048x100x64xf32, #tpu.memory_space<hbm>> -> memref<1x100x64xf32, #tpu.memory_space<hbm>>
    %dma_wait3A_41 = tpu.memref_squeeze %dma_wait3A_40 : memref<1x100x64xf32, #tpu.memory_space<hbm>> -> memref<100x64xf32, #tpu.memory_space<hbm>>
    %dma_wait3A_42 = arith.constant 0 : i32
    %dma_wait3A_43 = arith.constant 0 : i32
    %dma_wait3A_44 = tpu.memref_slice %arg4[%add3A_38, %dma_wait3A_42, %dma_wait3A_43] : memref<2048x100x64xf32, #tpu.memory_space<hbm>> -> memref<1x100x64xf32, #tpu.memory_space<hbm>>
    %dma_wait3A_45 = tpu.memref_squeeze %dma_wait3A_44 : memref<1x100x64xf32, #tpu.memory_space<hbm>> -> memref<100x64xf32, #tpu.memory_space<hbm>>
    tpu.wait_dma2 semaphore(%arg28 : memref<!tpu.dma_semaphore, #tpu.memory_space<semaphore_mem>>) src(%arg11 : memref<100x64xf32, #tpu.memory_space<vmem>>) dst(%dma_wait3A_45 : memref<100x64xf32, #tpu.memory_space<hbm>>)
    %add3A_46 = arith.constant 61 : i32
    %add3A_47 = arith.addi %mul3A_2, %add3A_46 : i32
    %dma_wait3A_48 = arith.constant 0 : i32
    %dma_wait3A_49 = arith.constant 0 : i32
    %dma_wait3A_50 = tpu.memref_slice %arg4[%add3A_47, %dma_wait3A_48, %dma_wait3A_49] : memref<2048x100x64xf32, #tpu.memory_space<hbm>> -> memref<1x100x64xf32, #tpu.memory_space<hbm>>
    %dma_wait3A_51 = tpu.memref_squeeze %dma_wait3A_50 : memref<1x100x64xf32, #tpu.memory_space<hbm>> -> memref<100x64xf32, #tpu.memory_space<hbm>>
    %dma_wait3A_52 = arith.constant 0 : i32
    %dma_wait3A_53 = arith.constant 0 : i32
    %dma_wait3A_54 = tpu.memref_slice %arg4[%add3A_47, %dma_wait3A_52, %dma_wait3A_53] : memref<2048x100x64xf32, #tpu.memory_space<hbm>> -> memref<1x100x64xf32, #tpu.memory_space<hbm>>
    %dma_wait3A_55 = tpu.memref_squeeze %dma_wait3A_54 : memref<1x100x64xf32, #tpu.memory_space<hbm>> -> memref<100x64xf32, #tpu.memory_space<hbm>>
    tpu.wait_dma2 semaphore(%arg29 : memref<!tpu.dma_semaphore, #tpu.memory_space<semaphore_mem>>) src(%arg12 : memref<100x64xf32, #tpu.memory_space<vmem>>) dst(%dma_wait3A_55 : memref<100x64xf32, #tpu.memory_space<hbm>>)
    %add3A_56 = arith.constant 62 : i32
    %add3A_57 = arith.addi %mul3A_2, %add3A_56 : i32
    %dma_wait3A_58 = arith.constant 0 : i32
    %dma_wait3A_59 = arith.constant 0 : i32
    %dma_wait3A_60 = tpu.memref_slice %arg4[%add3A_57, %dma_wait3A_58, %dma_wait3A_59] : memref<2048x100x64xf32, #tpu.memory_space<hbm>> -> memref<1x100x64xf32, #tpu.memory_space<hbm>>
    %dma_wait3A_61 = tpu.memref_squeeze %dma_wait3A_60 : memref<1x100x64xf32, #tpu.memory_space<hbm>> -> memref<100x64xf32, #tpu.memory_space<hbm>>
    %dma_wait3A_62 = arith.constant 0 : i32
    %dma_wait3A_63 = arith.constant 0 : i32
    %dma_wait3A_64 = tpu.memref_slice %arg4[%add3A_57, %dma_wait3A_62, %dma_wait3A_63] : memref<2048x100x64xf32, #tpu.memory_space<hbm>> -> memref<1x100x64xf32, #tpu.memory_space<hbm>>
    %dma_wait3A_65 = tpu.memref_squeeze %dma_wait3A_64 : memref<1x100x64xf32, #tpu.memory_space<hbm>> -> memref<100x64xf32, #tpu.memory_space<hbm>>
    tpu.wait_dma2 semaphore(%arg30 : memref<!tpu.dma_semaphore, #tpu.memory_space<semaphore_mem>>) src(%arg13 : memref<100x64xf32, #tpu.memory_space<vmem>>) dst(%dma_wait3A_65 : memref<100x64xf32, #tpu.memory_space<hbm>>)
    %add3A_66 = arith.constant 63 : i32
    %add3A_67 = arith.addi %mul3A_2, %add3A_66 : i32
    %dma_wait3A_68 = arith.constant 0 : i32
    %dma_wait3A_69 = arith.constant 0 : i32
    %dma_wait3A_70 = tpu.memref_slice %arg4[%add3A_67, %dma_wait3A_68, %dma_wait3A_69] : memref<2048x100x64xf32, #tpu.memory_space<hbm>> -> memref<1x100x64xf32, #tpu.memory_space<hbm>>
    %dma_wait3A_71 = tpu.memref_squeeze %dma_wait3A_70 : memref<1x100x64xf32, #tpu.memory_space<hbm>> -> memref<100x64xf32, #tpu.memory_space<hbm>>
    %dma_wait3A_72 = arith.constant 0 : i32
    %dma_wait3A_73 = arith.constant 0 : i32
    %dma_wait3A_74 = tpu.memref_slice %arg4[%add3A_67, %dma_wait3A_72, %dma_wait3A_73] : memref<2048x100x64xf32, #tpu.memory_space<hbm>> -> memref<1x100x64xf32, #tpu.memory_space<hbm>>
    %dma_wait3A_75 = tpu.memref_squeeze %dma_wait3A_74 : memref<1x100x64xf32, #tpu.memory_space<hbm>> -> memref<100x64xf32, #tpu.memory_space<hbm>>
    tpu.wait_dma2 semaphore(%arg31 : memref<!tpu.dma_semaphore, #tpu.memory_space<semaphore_mem>>) src(%arg14 : memref<100x64xf32, #tpu.memory_space<vmem>>) dst(%dma_wait3A_75 : memref<100x64xf32, #tpu.memory_space<hbm>>)
    "tpu.region"() ({
      %run_scoped3A = tpu.sem_alloc : memref<!tpu.dma_semaphore, #tpu.memory_space<semaphore_mem>>
      %dma_start3A_76 = arith.constant 0 : i32
      %dma_start3A_77 = tpu.memref_slice %arg5[%mul3A_4, %dma_start3A_76] : memref<1024x64xf32, #tpu.memory_space<hbm>> -> memref<32x64xf32, #tpu.memory_space<hbm>>
      %dma_start3A_78 = arith.constant 0 : i32
      %dma_start3A_79 = tpu.memref_slice %arg5[%mul3A_4, %dma_start3A_78] : memref<1024x64xf32, #tpu.memory_space<hbm>> -> memref<32x64xf32, #tpu.memory_space<hbm>>
      tpu.enqueue_dma source(%arg15 : memref<32x64xf32, #tpu.memory_space<vmem>>) target(%dma_start3A_79 : memref<32x64xf32, #tpu.memory_space<hbm>>) target_semaphore(%run_scoped3A : memref<!tpu.dma_semaphore, #tpu.memory_space<semaphore_mem>>)
      %dma_wait3A_80 = arith.constant 0 : i32
      %dma_wait3A_81 = tpu.memref_slice %arg5[%mul3A_4, %dma_wait3A_80] : memref<1024x64xf32, #tpu.memory_space<hbm>> -> memref<32x64xf32, #tpu.memory_space<hbm>>
      %dma_wait3A_82 = arith.constant 0 : i32
      %dma_wait3A_83 = tpu.memref_slice %arg5[%mul3A_4, %dma_wait3A_82] : memref<1024x64xf32, #tpu.memory_space<hbm>> -> memref<32x64xf32, #tpu.memory_space<hbm>>
      tpu.wait_dma2 semaphore(%run_scoped3A : memref<!tpu.dma_semaphore, #tpu.memory_space<semaphore_mem>>) src(%arg15 : memref<32x64xf32, #tpu.memory_space<vmem>>) dst(%dma_wait3A_83 : memref<32x64xf32, #tpu.memory_space<hbm>>)
      tpu.yield
    }) : () -> ()
    return
  }
}

</mosaic_0001>

<sc_bundles>
// kernel: _sc_gather_sum.3.cloned.1.call-start
scs
__scs_entry_jumppad:
0x0: {  	(pc) =	sbr.rel $0x88, $3  }
0x1: {  	(tag) =	ssettag $0x0;
	lr =	simm.s32 $0x1  }
0x2: {  	[smem:$0x3F9F] =	sst lr;
	_ =	strace $0xD0000000  }
0x3: {  	_ = 	snop  }
0x4: {  	_ = 	snop  }
0x5: {  	_ = 	snop  }
0x6: {  	_ = 	snop  }
0x7: {  	_ = 	snop  }
__scs_overlays_trampoline_lowered:
0x8: {  	[smem:$0x3FAE] =	sst s0  }
0x9: {  	[smem:$0x3FAF] =	sst s1  }
0xa: {  	[smem:$0x3FB0] =	sst s2  }
0xb: {  	[smem:$0x3FB1] =	sst s3  }
0xc: {  	[smem:$0x3FB2] =	sst s4  }
0xd: {  	[smem:$0x3FB3] =	sst s5  }
0xe: {  	[smem:$0x3FB4] =	sst s6  }
0xf: {  	[smem:$0x3FB5] =	sst s7  }
0x10: {  	[smem:$0x3FB6] =	sst s8  }
0x11: {  	[smem:$0x3FB7] =	sst s9;
	s0 =	simm.s32 @!p0 $0x0  }
0x12: {  	s1 =	sld [smem:$0x3F9D];
	s0 =	simm.s32 @p0 $0x1  }
0x13: {  	[smem:$0x3FB8] =	sst s0;
	s0 =	simm.s32 @!p1 $0x0  }
0x14: {  	s2 =	sld [smem:$0x3F9C];
	s0 =	simm.s32 @p1 $0x1  }
0x15: {  	[smem:$0x3FB9] =	sst s0;
	s0 =	simm.s32 @!p2 $0x0  }
0x16: {  	s3 =	sld [smem:$0x3FDB];
	s0 =	simm.s32 @p2 $0x1  }
0x17: {  	s4 =	simm.s32 $0x1BF5;
	[smem:$0x3FBB] =	sst s0  }
0x18: {  	s0 =	sld [smem:$0x3F9E];
	_ =	swait.ge [sflag:s4], $0x0  }
0x19: {  	s7 =	sld [smem:$0x3F9F]  }
0x1a: {  	s8 =	sadd.s32 $0xFFFFE003, lr  }
0x1b: {  	s9 =	sadd.s32 $0xFFFFFEF7, lr;
	s5 =	simm.s32 $0xFFFFFFFF;
	p2 =	slt.u32 s8, $0xFFFFF086  }
0x1c: {  	p1 =	slt.u32 s9, $0xF7A;
	s5 =	simm.s32 @!p2 $0x0  }
0x1d: {  	s5 =	simm.s32 @p1 $0x1;
	p0 =	seq.s32 s7, s2  }
0x1e: {  	s7 =	smul.u32 @!p0 $0xF7A, s2;
	p2 =	seq.s32 @!p0 s5, $0x0  }
0x1f: {  	s9 =	smul.u32 $0xF7A, s1;
	s8 =	simm.s32 @!p0 $0x1BF5;
	p2 =	por !p2, p0  }
0x20: {  	[sflag:s8] =	ssyncset.s32 @!p0 $0xFFFFF086;
	s6 =	sadd.s32 @!p0 s3, s7;
	s7 =	simm.s32 @!p0 $0x108  }
0x21: {  	s3 =	sadd.s32 s3, s9;
	s6 =	sadd.s32 @!p0 $0x88, s6;
	s7 =	simm.s32 @p2 $0x1082  }
0x22: {  	[simem:s7], [sflag:s8] =	dma.local @!p0 [hbm:s6], $0xF7A  }
0x23: {  	s9 =	sor.u32 $0xD0000000, s2;
	s6 =	simm.s32 $0x108;
	_ =	swait.ge @!p0 [sflag:s8], $0x0  }
0x24: {  	s3 =	sadd.s32 $0x88, s3;
	s6 =	simm.s32 @!p1 $0x1082;
	[sflag:s4] =	ssyncset.s32 $0xFFFFF086  }
0x25: {  	[simem:s6], [sflag:s4] =	dma.local [hbm:s3], $0xF7A  }
0x26: {  	[smem:$0x3F9F] =	sst s1;
	(tag) =	ssettag s2;
	_ =	strace s9  }
0x27: {  	s1 =	sld [smem:$0x3FAF]  }
0x28: {  	s2 =	sld [smem:$0x3FB0]  }
0x29: {  	s4 =	sld [smem:$0x3FB2]  }
0x2a: {  	p0 =	seq.s32 s5, $0x0;
	s5 =	sld [smem:$0x3FB3]  }
0x2b: {  	s6 =	sld [smem:$0x3FB4]  }
0x2c: {  	s7 =	sld [smem:$0x3FB5]  }
0x2d: {  	s3 =	simm.s32 $0x108;
	s8 =	sld [smem:$0x3FB6]  }
0x2e: {  	s3 =	simm.s32 @!p0 $0x1082;
	s9 =	sld [smem:$0x3FB7]  }
0x2f: {  	lr =	sadd.s32 s0, s3;
	s0 =	sld [smem:$0x3FAE]  }
0x30: {  	s3 =	sld [smem:$0x3FB1]  }
0x31: {  	[smem:$0x3FBA] =	sst s10  }
0x32: {  	s10 =	sld [smem:$0x3FB8];
	_ =	sdelay $0x3  }
0x33: {  	p0 =	seq.s32 s10, $0x1;
	s10 =	sld [smem:$0x3FBA];
	_ =	sdelay $0x3  }
0x34: {  	[smem:$0x3FBA] =	sst s10  }
0x35: {  	s10 =	sld [smem:$0x3FB9];
	_ =	sdelay $0x3  }
0x36: {  	p1 =	seq.s32 s10, $0x1;
	s10 =	sld [smem:$0x3FBA];
	_ =	sdelay $0x3  }
0x37: {  	[smem:$0x3FBA] =	sst s10  }
0x38: {  	s10 =	sld [smem:$0x3FBB]  }
0x39: {  	_ = 	snop;
	(pc) =	sbr.ind lr, $3  }
0x3a: {  	_ = 	snop  }
0x3b: {  	_ = 	snop  }
0x3c: {  	p2 =	seq.s32 s10, $0x1;
	s10 =	sld [smem:$0x3FBA]  }
0x3d: {  	_ =	shalt  }
0x3e: {  	_ =	shalt  }
0x3f: {  	_ =	shalt  }
0x40: {  	_ =	shalt  }
0x41: {  	_ =	shalt  }
0x42: {  	_ =	shalt  }
0x43: {  	_ =	shalt  }
0x44: {  	_ =	shalt  }
0x45: {  	_ =	shalt  }
0x46: {  	_ =	shalt  }
0x47: {  	_ =	shalt  }
0x48: {  	_ =	shalt  }
0x49: {  	_ =	shalt  }
0x4a: {  	_ =	shalt  }
0x4b: {  	_ =	shalt  }
0x4c: {  	_ =	shalt  }
0x4d: {  	_ =	shalt  }
0x4e: {  	_ =	shalt  }
0x4f: {  	_ =	shalt  }
0x50: {  	_ =	shalt  }
0x51: {  	_ =	shalt  }
0x52: {  	_ =	shalt  }
0x53: {  	_ =	shalt  }
0x54: {  	_ =	shalt  }
0x55: {  	_ =	shalt  }
0x56: {  	_ =	shalt  }
0x57: {  	_ =	shalt  }
0x58: {  	_ =	shalt  }
0x59: {  	_ =	shalt  }
0x5a: {  	_ =	shalt  }
0x5b: {  	_ =	shalt  }
0x5c: {  	_ =	shalt  }
0x5d: {  	_ =	shalt  }
0x5e: {  	_ =	shalt  }
0x5f: {  	_ =	shalt  }
0x60: {  	_ =	shalt  }
0x61: {  	_ =	shalt  }
0x62: {  	_ =	shalt  }
0x63: {  	_ =	shalt  }
0x64: {  	_ =	shalt  }
0x65: {  	_ =	shalt  }
0x66: {  	_ =	shalt  }
0x67: {  	_ =	shalt  }
0x68: {  	_ =	shalt  }
0x69: {  	_ =	shalt  }
0x6a: {  	_ =	shalt  }
0x6b: {  	_ =	shalt  }
0x6c: {  	_ =	shalt  }
0x6d: {  	_ =	shalt  }
0x6e: {  	_ =	shalt  }
0x6f: {  	_ =	shalt  }
0x70: {  	_ =	shalt  }
0x71: {  	_ =	shalt  }
0x72: {  	_ =	shalt  }
0x73: {  	_ =	shalt  }
0x74: {  	_ =	shalt  }
0x75: {  	_ =	shalt  }
0x76: {  	_ =	shalt  }
0x77: {  	_ =	shalt  }
0x78: {  	_ =	shalt  }
0x79: {  	_ =	shalt  }
0x7a: {  	_ =	shalt  }
0x7b: {  	_ =	shalt  }
0x7c: {  	_ =	shalt  }
0x7d: {  	_ =	shalt  }
0x7e: {  	_ =	shalt  }
0x7f: {  	_ =	shalt  }
0x80: {  	_ =	shalt  }
0x81: {  	_ =	shalt  }
0x82: {  	_ =	shalt  }
0x83: {  	_ =	shalt  }
0x84: {  	_ =	shalt  }
0x85: {  	_ =	shalt  }
0x86: {  	_ =	shalt  }
0x87: {  	_ =	shalt  }
.Lfunc_end0:
.L_simem_size_0:
called_computation.1_lowered:
.L_overlay_start_0:
0x88: {  	s2 =	sld [smem:$0x3FD9]  }
0x89: {  	s3 =	sld [smem:$0x3FFE];
	_ =	sdelay $0x1  }
0x8a: {  	s1 =	srdreg.scid  }
0x8b: {  	s0 =	sand.u32 $0x1, s1  }
0x8c: {  	s14 =	sshll.u32 s0, $0xA;
	s2 =	sadd.s32 s3, s2  }
0x8d: {  	s2 =	sadd.s32 s2, s14  }
0x8e: {  	[smem:$0x3FC6] =	sst s2  }
0x8f: {  	_ = 	snop  }
0x90: {  	s2 =	sld [smem:$0x3FD0];
	_ =	sdelay $0x2  }
0x91: {  	s15 =	simm.s32 $0xA;
	s4 =	simm.s32 $0x10  }
0x92: {  	[smem:s4], [sflag:s15] =	dma.local [hbm:s2], $0x1  }
0x93: {  	_ =	swait.eq [sflag:s15], $0x1  }
0x94: {  	[sflag:s15] =	ssyncset.done $0x0  }
0x95: {  	s16 =	sld [smem:$0x10];
	[sflag:s15] =	ssyncadd.s32 $0xFFFFFFFF  }
0x96: {  	s17 =	sld [smem:$0x11];
	(tm) =	ssettm $0x1  }
0x97: {  	s18 =	sld [smem:$0x3FFB];
	_ =	sdelay $0x3  }
0x98: {  	_ =	strace s18  }
0x99: {  	s4 =	sld [smem:$0x3FFC];
	_ =	sdelay $0x3  }
0x9a: {  	_ =	strace s4  }
0x9b: {  	s4 =	sld [smem:$0x3FFD];
	_ =	sdelay $0x3  }
0x9c: {  	_ =	strace s4  }
0x9d: {  	_ =	strace $0x8FFFFFFF  }
0x9e: {  	s19 =	sld [smem:$0x3FDB];
	_ =	sdelay $0x1  }
0x9f: {  	s5 =	simm.s32 $_scs_section_size  }
0xa0: {  	s6 =	simm.s32 $_size__tile_overlayer_lowered;
	s7 =	simm.s32 $_tile_overlayer_lowered  }
0xa1: {  	s22 =	simm.s32 $0x1BFF;
	s21 =	sshll.u32 s7, $0x1;
	s4 =	sadd.s32 s5, s19  }
0xa2: {  	s8 =	simm.s32 $0x0;
	s20 =	sshll.u32 s6, $0x1;
	s6 =	sadd.s32 s21, s4  }
0xa3: {  	[timem:s8], [sflag:s22] =	dma.local [hbm:s6], s20  }
0xa4: {  	_ =	swait.ge [sflag:s22], s20  }
0xa5: {  	s5 =	ssub.s32 $0x0, s20;
	[sflag:s22] =	ssyncset.done $0x0  }
0xa6: {  	[sflag:s22] =	ssyncadd.s32 s5;
	_ =	sdelay $0x1  }
0xa7: {  	s23 =	simm.s32 $0x1B8B  }
0xa8: {  	_ =	swait.ge [sflag:s23], $0x1  }
0xa9: {  	[sflag:s23] =	ssyncset.done $0x0  }
0xaa: {  	s25 =	simm.s32 $0x1B8E;
	s24 =	sld [smem:$0x3FFE];
	[sflag:s23] =	ssyncadd.s32 $0xFFFFFFFF  }
0xab: {  	s26 =	simm.s32 $execute0_lowered;
	[smem:$0x3FD2] =	sst s25  }
0xac: {  	s6 =	sshll.u32 s26, $0x1;
	_ =	strace $0x80000046;
	[dreg:$0x1] =	wrdreg $0xFFFFFFFF  }
0xad: {  	s28 =	simm.s32 $_size_execute0_lowered;
	s4 =	sadd.s32 s4, s6;
	[dreg:$0x0] =	wrdreg $0x0  }
0xae: {  	s6 =	sshll.u32 s28, $0x1;
	[dreg:$0x2] =	wrdreg s4  }
0xaf: {  	[dreg:$0x3] =	wrdreg s6  }
0xb0: {  	[dreg:$0x4] =	wrdreg $0xC0  }
0xb1: {  	_ =	task [dreg:s8], $0x5FFFF  }
0xb2: {  	[dreg:$0x1] =	wrdreg $0xFFFFFFFF  }
0xb3: {  	[dreg:$0x0] =	wrdreg $0x60  }
0xb4: {  	[dreg:$0x2] =	wrdreg s24  }
0xb5: {  	[dreg:$0x3] =	wrdreg s16  }
0xb6: {  	[dreg:$0x4] =	wrdreg s17  }
0xb7: {  	[dreg:$0x5] =	wrdreg $0x9  }
0xb8: {  	_ =	task.clear_ibuf [dreg:s8], $0x6FFFF;
	_ =	strace $0x90000046  }
0xb9: {  	s29 =	simm.s32 $0x9;
	_ =	strace $0x80000048  }
0xba: {  	_ =	swait.ge [sflag:s29], $0x1  }
0xbb: {  	[sflag:s29] =	ssyncadd.s32 $0xFFFFFFFF  }
0xbc: {  	_ =	strace $0x90000048  }
0xbd: {  	_ =	sfence  }
0xbe: {  	s30 =	sld [smem:$0x0];
	_ =	sdelay $0x2  }
0xbf: {  	s31 =	sshll.u32 s1, $0xD;
	s1 =	sshrl.u32 s1, $0x2  }
0xc0: {  	s3 =	sand.u32 $0x4000, s31;
	s1 =	sadd.s32 s1, s30  }
0xc1: {  	s0 =	sor.u32 s3, s0;
	s1 =	sshll.u32 s1, $0x11  }
0xc2: {  	s0 =	sor.u32 s1, s0  }
0xc3: {  	s0 =	sadd.s32 $0x8F2B, s0  }
0xc4: {  	[sflag:s0] =	ssyncadd.remote.s32 $0x1  }
0xc5: {  	_ =	sfence.sel $0xFFFF  }
0xc6: {  	[dreg:$0x0] =	wrdreg $0xFFFFFFFF;
	(pc) =	sbr.abs _section_cstart, $3  }
0xc7: {  	[dreg:$0x1] =	wrdreg $0xFFFFFFFF  }
0xc8: {  	_ =	task.clear_ibuf [dreg:s8], $0x2FFFF;
	_ =	strace $0x9FFFFFFF  }
0xc9: {  	(tm) =	ssettm $0x7FFFFFFF  }
tec
execute0_lowered:
.L_overlay_start_1:
0x0: {  	(tag) =	ssettag $0x1  }
0x1: {  	s0 =	rddreg [dreg:$0x0]  }
0x2: {  	s2 =	rddreg [dreg:$0x1]  }
0x3: {  	s1 =	srdreg.scid;
	s3 =	stileid.u32  }
0x4: {  	s6 =	rddreg [dreg:$0x2];
	s10 =	simm.s32 $0x64;
	s17 =	simm.s32 $0x6500  }
0x5: {  	s18 =	simm.s32 $0x1;
	s19 =	simm.s32 $0x7E00;
	s20 =	simm.s32 $0x2  }
0x6: {  	s21 =	simm.s32 $0x9700;
	s22 =	simm.s32 $0x3;
	s23 =	simm.s32 $0xB000  }
0x7: {  	s24 =	simm.s32 $0x4;
	s28 =	simm.s32 $0x9;
	s29 =	simm.s32 $0x6  }
0x8: {  	s30 =	simm.s32 $0xA;
	s31 =	simm.s32 $0x7;
	s12 =	simm.s32 $0xC  }
0x9: {  	s1 =	sand.u32 $0x1, s1;
	s4 =	sshll.u32 s3, $0x1;
	s3 =	simm.s32 $0x0  }
0xa: {  	s7 =	sor.u32 s1, s4;
	[smem:$0x7FF] =	sst s3;
	s1 =	ssub.s32 $0x2, s1  }
0xb: {  	s4 =	sadd.s32 $0xF43400, s0;
	s5 =	smul.u32 $0x340, s7;
	s8 =	sshrl.u32 s1, $0x1  }
0xc: {  	_ =	strace $0x80000047;
	s25 =	sshll.u32 s7, $0x8;
	s1 =	ssub.s32 s1, s8  }
.Ltmp0:
0xd: {  	s8 =	simm.s32 $0x0;
	s0 =	sadd.s32 s5, s0;
	(pc) =	sbr.rel .LBB2_1-.Ltmp0, $4  }
0xe: {  	s5 =	sshll.u32 s7, $0x6;
	s26 =	smax.u32 s1, $0x1;
	s7 =	simm.s32 $0x11  }
0xf: {  	s1 =	simm.s32 $0xB;
	s0 =	sadd.s32 $0x1000, s0;
	[dreg:$0x6] =	wrdreg s26  }
0x10: {  	s26 =	simm.s32 $0x5;
	[dreg:$0x4] =	wrdreg s0;
	s0 =	sadd.s32 s6, s25  }
0x11: {  	s25 =	simm.s32 $0xC900;
	[dreg:$0x5] =	wrdreg s0;
	s0 =	simm.s32 $0x8  }
.LBB2_20:
0x12: {  	s6 =	simm.s32 $0xD  }
0x13: {  	_ =	swait.ge [sflag:s6], $0x1900  }
0x14: {  	[sflag:s6] =	ssyncset.done $0x0  }
0x15: {  	s11 =	simm.s32 $0xE;
	[sflag:s6] =	ssyncadd.s32 $0xFFFFE700  }
0x16: {  	_ =	swait.ge [sflag:s11], $0x1900  }
0x17: {  	[sflag:s11] =	ssyncset.done $0x0  }
0x18: {  	s13 =	simm.s32 $0xF;
	[sflag:s11] =	ssyncadd.s32 $0xFFFFE700  }
0x19: {  	_ =	swait.ge [sflag:s13], $0x1900  }
0x1a: {  	[sflag:s13] =	ssyncset.done $0x0  }
0x1b: {  	s14 =	simm.s32 $0x10;
	[sflag:s13] =	ssyncadd.s32 $0xFFFFE700  }
0x1c: {  	_ =	swait.ge [sflag:s14], $0x1900  }
0x1d: {  	[sflag:s14] =	ssyncset.done $0x0  }
0x1e: {  	s7 =	simm.s32 $0xE200;
	s15 =	rddreg [dreg:$0x5];
	[sflag:s14] =	ssyncadd.s32 $0xFFFFE700  }
0x1f: {  	[hbm4b:s15+s3] =	stream.linear.scatter [tilespmem:s7], [sflag:$0x11], $0x800, $0x38;
	[tilespmem:$0xEA00] =	vst v63  }
0x20: {  	s7 =	simm.s32 $0x11  }
0x21: {  	_ =	swait.ge [sflag:s7], $0x800  }
0x22: {  	s8 =	rddreg [dreg:$0x7]  }
0x23: {  	s16 =	rddreg [dreg:$0x6];
	s8 =	sadd.s32 $0x1, s8  }
0x24: {  	p0 =	sne.s32 s8, s16  }
.Ltmp1:
0x25: {  	_ = 	snop;
	(pc) =	sbr.rel @!p0 .LBB2_21-.Ltmp1, $3  }
0x26: {  	_ =	sdelay $0x1  }
0x27: {  	[sflag:s7] =	ssyncset.done $0x0  }
0x28: {  	[sflag:s7] =	ssyncadd.s32 $0xFFFFF800  }
.LBB2_1:
0x29: {  	[dreg:$0x7] =	wrdreg s8  }
0x2a: {  	s6 =	rddreg [dreg:$0x4]  }
0x2b: {  	[tilespmem:s3], [sflag:$0x11] =	stream.linear.gather [hbm4b:s6+s3], $0x1A00, $0x38;
	[tilespmem:$0xEA00] =	vst v63  }
0x2c: {  	_ =	swait.ge [sflag:s7], $0x1A00  }
0x2d: {  	[sflag:s7] =	ssyncset.done $0x0  }
0x2e: {  	s9 =	simm.s32 $0x1A00;
	[sflag:s7] =	ssyncadd.s32 $0xFFFFE600  }
0x2f: {  	[tilespmem:s9], [sflag:$0x1] =	stream.indirect.gather [hbm4b:s4+s10], $0x40, s3, s10, $0xb8;
	[tilespmem:$0xEA00] =	vst v63  }
0x30: {  	s11 =	simm.s32 $0x68;
	s13 =	simm.s32 $0x3300  }
0x31: {  	[tilespmem:s13], [sflag:$0x2] =	stream.indirect.gather [hbm4b:s4+s10], $0x40, s11, s10, $0xb8;
	[tilespmem:$0xEA00] =	vst v63  }
0x32: {  	s14 =	simm.s32 $0xD0;
	s15 =	simm.s32 $0x4C00  }
0x33: {  	[tilespmem:s15], [sflag:$0x3] =	stream.indirect.gather [hbm4b:s4+s10], $0x40, s14, s10, $0xb8;
	[tilespmem:$0xEA00] =	vst v63  }
0x34: {  	s16 =	simm.s32 $0x138;
	s14 =	simm.s32 $0x0  }
0x35: {  	[tilespmem:s17], [sflag:$0x4] =	stream.indirect.gather [hbm4b:s4+s10], $0x40, s16, s10, $0xb8;
	[tilespmem:$0xEA00] =	vst v63  }
.LBB2_2:
0x36: {  	_ =	swait.ge [sflag:s18], $0x1900  }
0x37: {  	[sflag:s18] =	ssyncset.done $0x0  }
0x38: {  	s7 =	simm.s32 $0x1A80;
	[sflag:s18] =	ssyncadd.s32 $0xFFFFE700  }
0x39: {  	v0 =	vld [tilespmem:s7+$0x40]  }
0x3a: {  	v1 =	vld [tilespmem:s7+$0x50]  }
0x3b: {  	v2 =	vld [tilespmem:s7+$0x0]  }
0x3c: {  	v3 =	vld [tilespmem:s7+$0x10]  }
0x3d: {  	v4 =	vld [tilespmem:s7+$0xFFFFFFC0]  }
0x3e: {  	v5 =	vld [tilespmem:s7+$0xFFFFFFD0]  }
0x3f: {  	v6 =	vld [tilespmem:s7+$0xFFFFFF80]  }
0x40: {  	v7 =	vld [tilespmem:s7+$0xFFFFFF90]  }
0x41: {  	v9 =	vld [tilespmem:s7+$0xFFFFFFA0]  }
0x42: {  	v12 =	vld [tilespmem:s7+$0xFFFFFFB0]  }
0x43: {  	v11 =	vld [tilespmem:s7+$0xFFFFFFE0]  }
0x44: {  	v13 =	vld [tilespmem:s7+$0xFFFFFFF0]  }
0x45: {  	v15 =	vimm.f32 $0.0e+00;
	v8 =	vld [tilespmem:s7+$0x20]  }
0x46: {  	v10 =	vld [tilespmem:s7+$0x30];
	v6 =	vadd.f32 v6, v15;
	v7 =	vadd.f32 v7, v15  }
0x47: {  	v14 =	vadd.f32 v9, v15;
	v15 =	vadd.f32 v12, v15;
	v9 =	vld [tilespmem:s7+$0x60]  }
0x48: {  	s6 =	simm.s32 $0x0;
	v12 =	vld [tilespmem:s7+$0x70];
	s7 =	simm.s32 $0x1B80;
	v16 =	vadd.f32 v4, v6;
	v17 =	vadd.f32 v5, v7  }
.LBB2_3:
0x49: {  	v4 =	vld [tilespmem:s7+$0x40];
	v5 =	vadd.f32 v11, v14;
	v6 =	vadd.f32 v13, v15  }
0x4a: {  	v7 =	vld [tilespmem:s7+$0x50];
	v11 =	vadd.f32 v2, v16;
	v13 =	vadd.f32 v3, v17  }
0x4b: {  	v2 =	vld [tilespmem:s7+$0x0];
	v5 =	vadd.f32 v8, v5;
	v6 =	vadd.f32 v10, v6  }
0x4c: {  	v3 =	vld [tilespmem:s7+$0x10];
	v10 =	vadd.f32 v0, v11;
	v14 =	vadd.f32 v1, v13  }
0x4d: {  	v16 =	vld [tilespmem:s7+$0xFFFFFFC0];
	v5 =	vadd.f32 v9, v5;
	v6 =	vadd.f32 v12, v6  }
0x4e: {  	v12 =	vld [tilespmem:s7+$0xFFFFFFD0];
	v0 =	vmov v4  }
0x4f: {  	v4 =	vld [tilespmem:s7+$0xFFFFFF80];
	v1 =	vmov v7  }
0x50: {  	v7 =	vld [tilespmem:s7+$0xFFFFFF90]  }
0x51: {  	v9 =	vld [tilespmem:s7+$0xFFFFFFA0]  }
0x52: {  	s6 =	sadd.s32 $0x4, s6;
	v15 =	vld [tilespmem:s7+$0xFFFFFFB0]  }
0x53: {  	p0 =	slt.u32 s6, $0x60;
	v11 =	vld [tilespmem:s7+$0xFFFFFFE0]  }
.Ltmp2:
0x54: {  	v13 =	vld [tilespmem:s7+$0xFFFFFFF0];
	(pc) =	sbr.rel @p0 .LBB2_3-.Ltmp2, $4  }
0x55: {  	v8 =	vld [tilespmem:s7+$0x20]  }
0x56: {  	v4 =	vadd.f32 v4, v10;
	v7 =	vadd.f32 v7, v14;
	v10 =	vld [tilespmem:s7+$0x30]  }
0x57: {  	v14 =	vadd.f32 v9, v5;
	v15 =	vadd.f32 v15, v6;
	v9 =	vld [tilespmem:s7+$0x60]  }
0x58: {  	v16 =	vadd.f32 v16, v4;
	v17 =	vadd.f32 v12, v7;
	v12 =	vld [tilespmem:s7+$0x70];
	s7 =	sadd.s32 $0x100, s7  }
0x59: {  	s9 =	sshll.u32 s14, $0x3  }
0x5a: {  	s6 =	sadd.s32 s5, s9  }
0x5b: {  	s6 =	smul.u32 $0x320, s6;
	_ =	sdelay $0x1  }
0x5c: {  	s7 =	simm.s32 $0x1A00;
	p0 =	seq.s32 s14, $0x0;
	s6 =	sadd.s32 s2, s6  }
0x5d: {  	[hbm4b:s6+s3] =	stream.linear.scatter [tilespmem:s7], [sflag:$0x9], $0x1900, $0x38;
	[tilespmem:$0xEA00] =	vst v63  }
0x5e: {  	s16 =	sor.u32 $0x4, s9;
	s6 =	simm.s32 @!p0 $0xD  }
0x5f: {  	s11 =	smul.u32 $0x1A0, s16;
	_ =	swait.ge @!p0 [sflag:s6], $0x1900  }
0x60: {  	[sflag:s6] =	ssyncset.done @!p0 $0x0  }
0x61: {  	s13 =	sshra.s32 s11, $0x2;
	[sflag:s6] =	ssyncadd.s32 @!p0 $0xFFFFE700  }
0x62: {  	[tilespmem:s19], [sflag:$0x5] =	stream.indirect.gather [hbm4b:s4+s10], $0x40, s13, s10, $0xb8;
	[tilespmem:$0xEA00] =	vst v63  }
0x63: {  	_ =	swait.ge [sflag:s20], $0x1900  }
0x64: {  	[sflag:s20] =	ssyncset.done $0x0  }
0x65: {  	s15 =	simm.s32 $0x3380;
	[sflag:s20] =	ssyncadd.s32 $0xFFFFE700  }
0x66: {  	v4 =	vld [tilespmem:s15+$0x40]  }
0x67: {  	v5 =	vld [tilespmem:s15+$0x50]  }
0x68: {  	v6 =	vld [tilespmem:s15+$0x0]  }
0x69: {  	v7 =	vld [tilespmem:s15+$0x10]  }
0x6a: {  	v18 =	vld [tilespmem:s15+$0xFFFFFFC0]  }
0x6b: {  	v19 =	vld [tilespmem:s15+$0xFFFFFFD0]  }
0x6c: {  	v20 =	vld [tilespmem:s15+$0xFFFFFF80]  }
0x6d: {  	v21 =	vld [tilespmem:s15+$0xFFFFFF90]  }
0x6e: {  	v11 =	vadd.f32 v11, v14;
	v13 =	vadd.f32 v13, v15;
	v14 =	vld [tilespmem:s15+$0xFFFFFFA0]  }
0x6f: {  	v15 =	vadd.f32 v2, v16;
	v3 =	vadd.f32 v3, v17;
	v63 =	vld [tilespmem:s15+$0xFFFFFFB0]  }
0x70: {  	v8 =	vadd.f32 v8, v11;
	v11 =	vadd.f32 v10, v13;
	v2 =	vld [tilespmem:s15+$0xFFFFFFE0]  }
0x71: {  	v0 =	vadd.f32 v0, v15;
	v3 =	vadd.f32 v1, v3;
	v10 =	vld [tilespmem:s15+$0xFFFFFFF0]  }
0x72: {  	v8 =	vadd.f32 v9, v8;
	v9 =	vadd.f32 v12, v11;
	v1 =	vld [tilespmem:s15+$0x20]  }
0x73: {  	v12 =	vadd.f32 v20, v0;
	v15 =	vadd.f32 v21, v3;
	v3 =	vld [tilespmem:s15+$0x30]  }
0x74: {  	v11 =	vadd.f32 v14, v8;
	v9 =	vadd.f32 v63, v9;
	v0 =	vld [tilespmem:s15+$0x60]  }
0x75: {  	s7 =	simm.s32 $0x3480;
	s6 =	simm.s32 $0x0;
	v8 =	vld [tilespmem:s15+$0x70];
	v13 =	vadd.f32 v18, v12;
	v12 =	vadd.f32 v19, v15  }
.LBB2_5:
0x76: {  	v14 =	vld [tilespmem:s7+$0x40];
	v2 =	vadd.f32 v2, v11;
	v9 =	vadd.f32 v10, v9  }
0x77: {  	v10 =	vld [tilespmem:s7+$0x50];
	v11 =	vadd.f32 v6, v13;
	v12 =	vadd.f32 v7, v12  }
0x78: {  	v6 =	vld [tilespmem:s7+$0x0];
	v1 =	vadd.f32 v1, v2;
	v2 =	vadd.f32 v3, v9  }
0x79: {  	v7 =	vld [tilespmem:s7+$0x10];
	v3 =	vadd.f32 v4, v11;
	v9 =	vadd.f32 v5, v12  }
0x7a: {  	v12 =	vld [tilespmem:s7+$0xFFFFFFC0];
	v0 =	vadd.f32 v0, v1;
	v8 =	vadd.f32 v8, v2  }
0x7b: {  	v15 =	vld [tilespmem:s7+$0xFFFFFFD0];
	v4 =	vmov v14  }
0x7c: {  	v11 =	vld [tilespmem:s7+$0xFFFFFF80];
	v5 =	vmov v10  }
0x7d: {  	v13 =	vld [tilespmem:s7+$0xFFFFFF90]  }
0x7e: {  	v14 =	vld [tilespmem:s7+$0xFFFFFFA0]  }
0x7f: {  	s6 =	sadd.s32 $0x4, s6;
	v16 =	vld [tilespmem:s7+$0xFFFFFFB0]  }
0x80: {  	p1 =	slt.u32 s6, $0x60;
	v2 =	vld [tilespmem:s7+$0xFFFFFFE0]  }
.Ltmp3:
0x81: {  	v10 =	vld [tilespmem:s7+$0xFFFFFFF0];
	(pc) =	sbr.rel @p1 .LBB2_5-.Ltmp3, $4  }
0x82: {  	v1 =	vld [tilespmem:s7+$0x20]  }
0x83: {  	v17 =	vadd.f32 v11, v3;
	v18 =	vadd.f32 v13, v9;
	v3 =	vld [tilespmem:s7+$0x30]  }
0x84: {  	v11 =	vadd.f32 v14, v0;
	v9 =	vadd.f32 v16, v8;
	v0 =	vld [tilespmem:s7+$0x60]  }
0x85: {  	v13 =	vadd.f32 v12, v17;
	v12 =	vadd.f32 v15, v18;
	v8 =	vld [tilespmem:s7+$0x70];
	s7 =	sadd.s32 $0x100, s7  }
0x86: {  	_ = 	snop  }
0x87: {  	v2 =	vadd.f32 v2, v11;
	v6 =	vadd.f32 v6, v13  }
0x88: {  	v9 =	vadd.f32 v10, v9;
	v7 =	vadd.f32 v7, v12  }
0x89: {  	s6 =	sshll.u32 s14, $0x8;
	v1 =	vadd.f32 v1, v2;
	v2 =	vadd.f32 v4, v6  }
0x8a: {  	s7 =	sadd.s32 s9, s5;
	s6 =	sand.u32 $0x3FFFFF00, s6;
	v3 =	vadd.f32 v3, v9;
	v4 =	vadd.f32 v5, v7  }
0x8b: {  	s7 =	smul.u32 $0x320, s7;
	v0 =	vadd.f32 v0, v1;
	[tilespmem:s6+$0xE200] =	vst v2  }
0x8c: {  	v1 =	vadd.f32 v8, v3;
	[tilespmem:s6+$0xE210] =	vst v4  }
0x8d: {  	s8 =	sadd.s32 s2, s7;
	[tilespmem:s6+$0xE220] =	vst v0  }
0x8e: {  	s11 =	simm.s32 $0x3300;
	s7 =	sadd.s32 $0x320, s8;
	[tilespmem:s6+$0xE230] =	vst v1  }
0x8f: {  	[hbm4b:s7+s3] =	stream.linear.scatter [tilespmem:s11], [sflag:$0xA], $0x1900, $0x38;
	[tilespmem:$0xEA00] =	vst v63  }
0x90: {  	s6 =	simm.s32 @!p0 $0xE;
	s7 =	sor.u32 $0x5, s9  }
0x91: {  	_ =	swait.ge @!p0 [sflag:s6], $0x1900;
	s11 =	smul.u32 $0x1A0, s7  }
0x92: {  	[sflag:s6] =	ssyncset.done @!p0 $0x0  }
0x93: {  	[sflag:s6] =	ssyncadd.s32 @!p0 $0xFFFFE700;
	s13 =	sshra.s32 s11, $0x2  }
0x94: {  	[tilespmem:s21], [sflag:$0x6] =	stream.indirect.gather [hbm4b:s4+s10], $0x40, s13, s10, $0xb8;
	[tilespmem:$0xEA00] =	vst v63  }
0x95: {  	_ =	swait.ge [sflag:s22], $0x1900  }
0x96: {  	[sflag:s22] =	ssyncset.done $0x0  }
0x97: {  	s15 =	simm.s32 $0x4C80;
	[sflag:s22] =	ssyncadd.s32 $0xFFFFE700  }
0x98: {  	v0 =	vld [tilespmem:s15+$0x40]  }
0x99: {  	v1 =	vld [tilespmem:s15+$0x50]  }
0x9a: {  	v2 =	vld [tilespmem:s15+$0x0]  }
0x9b: {  	v3 =	vld [tilespmem:s15+$0x10]  }
0x9c: {  	v4 =	vld [tilespmem:s15+$0xFFFFFFC0]  }
0x9d: {  	v5 =	vld [tilespmem:s15+$0xFFFFFFD0]  }
0x9e: {  	v6 =	vld [tilespmem:s15+$0xFFFFFF80]  }
0x9f: {  	v7 =	vld [tilespmem:s15+$0xFFFFFF90]  }
0xa0: {  	v9 =	vld [tilespmem:s15+$0xFFFFFFA0]  }
0xa1: {  	v12 =	vld [tilespmem:s15+$0xFFFFFFB0]  }
0xa2: {  	v11 =	vld [tilespmem:s15+$0xFFFFFFE0]  }
0xa3: {  	v13 =	vld [tilespmem:s15+$0xFFFFFFF0]  }
0xa4: {  	v15 =	vimm.f32 $0.0e+00;
	v8 =	vld [tilespmem:s15+$0x20]  }
0xa5: {  	v10 =	vld [tilespmem:s15+$0x30];
	v6 =	vadd.f32 v6, v15;
	v7 =	vadd.f32 v7, v15  }
0xa6: {  	v14 =	vadd.f32 v9, v15;
	v15 =	vadd.f32 v12, v15;
	v9 =	vld [tilespmem:s15+$0x60]  }
0xa7: {  	s6 =	simm.s32 $0x0;
	s11 =	simm.s32 $0x4D80;
	v12 =	vld [tilespmem:s15+$0x70];
	v16 =	vadd.f32 v4, v6;
	v17 =	vadd.f32 v5, v7  }
.LBB2_7:
0xa8: {  	v4 =	vld [tilespmem:s11+$0x40];
	v5 =	vadd.f32 v11, v14;
	v6 =	vadd.f32 v13, v15  }
0xa9: {  	v7 =	vld [tilespmem:s11+$0x50];
	v11 =	vadd.f32 v2, v16;
	v13 =	vadd.f32 v3, v17  }
0xaa: {  	v2 =	vld [tilespmem:s11+$0x0];
	v5 =	vadd.f32 v8, v5;
	v6 =	vadd.f32 v10, v6  }
0xab: {  	v3 =	vld [tilespmem:s11+$0x10];
	v10 =	vadd.f32 v0, v11;
	v14 =	vadd.f32 v1, v13  }
0xac: {  	v16 =	vld [tilespmem:s11+$0xFFFFFFC0];
	v5 =	vadd.f32 v9, v5;
	v6 =	vadd.f32 v12, v6  }
0xad: {  	v12 =	vld [tilespmem:s11+$0xFFFFFFD0];
	v0 =	vmov v4  }
0xae: {  	v4 =	vld [tilespmem:s11+$0xFFFFFF80];
	v1 =	vmov v7  }
0xaf: {  	v7 =	vld [tilespmem:s11+$0xFFFFFF90]  }
0xb0: {  	v9 =	vld [tilespmem:s11+$0xFFFFFFA0]  }
0xb1: {  	s6 =	sadd.s32 $0x4, s6;
	v15 =	vld [tilespmem:s11+$0xFFFFFFB0]  }
0xb2: {  	p1 =	slt.u32 s6, $0x60;
	v11 =	vld [tilespmem:s11+$0xFFFFFFE0]  }
.Ltmp4:
0xb3: {  	v13 =	vld [tilespmem:s11+$0xFFFFFFF0];
	(pc) =	sbr.rel @p1 .LBB2_7-.Ltmp4, $4  }
0xb4: {  	v8 =	vld [tilespmem:s11+$0x20]  }
0xb5: {  	v4 =	vadd.f32 v4, v10;
	v7 =	vadd.f32 v7, v14;
	v10 =	vld [tilespmem:s11+$0x30]  }
0xb6: {  	v14 =	vadd.f32 v9, v5;
	v15 =	vadd.f32 v15, v6;
	v9 =	vld [tilespmem:s11+$0x60]  }
0xb7: {  	v16 =	vadd.f32 v16, v4;
	v17 =	vadd.f32 v12, v7;
	v12 =	vld [tilespmem:s11+$0x70];
	s11 =	sadd.s32 $0x100, s11  }
0xb8: {  	s11 =	sor.u32 $0x2, s9  }
0xb9: {  	s6 =	sadd.s32 s5, s11  }
0xba: {  	s6 =	smul.u32 $0x320, s6;
	_ =	sdelay $0x1  }
0xbb: {  	s13 =	simm.s32 $0x4C00;
	s6 =	sadd.s32 s2, s6  }
0xbc: {  	[hbm4b:s6+s3] =	stream.linear.scatter [tilespmem:s13], [sflag:$0xB], $0x1900, $0x38;
	[tilespmem:$0xEA00] =	vst v63  }
0xbd: {  	s6 =	sor.u32 $0x6, s9;
	s13 =	simm.s32 @!p0 $0xF  }
0xbe: {  	_ =	swait.ge @!p0 [sflag:s13], $0x1900;
	s15 =	smul.u32 $0x1A0, s6  }
0xbf: {  	[sflag:s13] =	ssyncset.done @!p0 $0x0  }
0xc0: {  	[sflag:s13] =	ssyncadd.s32 @!p0 $0xFFFFE700;
	s15 =	sshra.s32 s15, $0x2  }
0xc1: {  	[tilespmem:s23], [sflag:$0x7] =	stream.indirect.gather [hbm4b:s4+s10], $0x40, s15, s10, $0xb8;
	[tilespmem:$0xEA00] =	vst v63  }
0xc2: {  	_ =	swait.ge [sflag:s24], $0x1900  }
0xc3: {  	[sflag:s24] =	ssyncset.done $0x0  }
0xc4: {  	s15 =	simm.s32 $0x6580;
	[sflag:s24] =	ssyncadd.s32 $0xFFFFE700  }
0xc5: {  	v4 =	vld [tilespmem:s15+$0x40]  }
0xc6: {  	v5 =	vld [tilespmem:s15+$0x50]  }
0xc7: {  	v6 =	vld [tilespmem:s15+$0x0]  }
0xc8: {  	v7 =	vld [tilespmem:s15+$0x10]  }
0xc9: {  	v18 =	vld [tilespmem:s15+$0xFFFFFFC0]  }
0xca: {  	v19 =	vld [tilespmem:s15+$0xFFFFFFD0]  }
0xcb: {  	v20 =	vld [tilespmem:s15+$0xFFFFFF80]  }
0xcc: {  	v21 =	vld [tilespmem:s15+$0xFFFFFF90]  }
0xcd: {  	v11 =	vadd.f32 v11, v14;
	v13 =	vadd.f32 v13, v15;
	v14 =	vld [tilespmem:s15+$0xFFFFFFA0]  }
0xce: {  	v15 =	vadd.f32 v2, v16;
	v3 =	vadd.f32 v3, v17;
	v63 =	vld [tilespmem:s15+$0xFFFFFFB0]  }
0xcf: {  	v11 =	vadd.f32 v8, v11;
	v10 =	vadd.f32 v10, v13;
	v2 =	vld [tilespmem:s15+$0xFFFFFFE0]  }
0xd0: {  	v13 =	vadd.f32 v0, v15;
	v1 =	vadd.f32 v1, v3;
	v8 =	vld [tilespmem:s15+$0xFFFFFFF0]  }
0xd1: {  	v9 =	vadd.f32 v9, v11;
	v10 =	vadd.f32 v12, v10;
	v0 =	vld [tilespmem:s15+$0x20]  }
0xd2: {  	v3 =	vld [tilespmem:s15+$0x30];
	v12 =	vadd.f32 v20, v13;
	v15 =	vadd.f32 v21, v1  }
0xd3: {  	v11 =	vadd.f32 v14, v9;
	v10 =	vadd.f32 v63, v10;
	v1 =	vld [tilespmem:s15+$0x60]  }
0xd4: {  	s13 =	simm.s32 $0x0;
	v9 =	vld [tilespmem:s15+$0x70];
	s15 =	simm.s32 $0x6680;
	v13 =	vadd.f32 v18, v12;
	v12 =	vadd.f32 v19, v15  }
.LBB2_9:
0xd5: {  	v14 =	vld [tilespmem:s15+$0x40];
	v2 =	vadd.f32 v2, v11;
	v8 =	vadd.f32 v8, v10  }
0xd6: {  	v10 =	vld [tilespmem:s15+$0x50];
	v11 =	vadd.f32 v6, v13;
	v12 =	vadd.f32 v7, v12  }
0xd7: {  	v6 =	vld [tilespmem:s15+$0x0];
	v0 =	vadd.f32 v0, v2;
	v2 =	vadd.f32 v3, v8  }
0xd8: {  	v7 =	vld [tilespmem:s15+$0x10];
	v3 =	vadd.f32 v4, v11;
	v11 =	vadd.f32 v5, v12  }
0xd9: {  	v12 =	vld [tilespmem:s15+$0xFFFFFFC0];
	v1 =	vadd.f32 v1, v0;
	v9 =	vadd.f32 v9, v2  }
0xda: {  	v15 =	vld [tilespmem:s15+$0xFFFFFFD0];
	v4 =	vmov v14  }
0xdb: {  	v13 =	vld [tilespmem:s15+$0xFFFFFF80];
	v5 =	vmov v10  }
0xdc: {  	v10 =	vld [tilespmem:s15+$0xFFFFFF90]  }
0xdd: {  	v14 =	vld [tilespmem:s15+$0xFFFFFFA0]  }
0xde: {  	s13 =	sadd.s32 $0x4, s13;
	v16 =	vld [tilespmem:s15+$0xFFFFFFB0]  }
0xdf: {  	p1 =	slt.u32 s13, $0x60;
	v2 =	vld [tilespmem:s15+$0xFFFFFFE0]  }
.Ltmp5:
0xe0: {  	v8 =	vld [tilespmem:s15+$0xFFFFFFF0];
	(pc) =	sbr.rel @p1 .LBB2_9-.Ltmp5, $4  }
0xe1: {  	v0 =	vld [tilespmem:s15+$0x20]  }
0xe2: {  	v13 =	vadd.f32 v13, v3;
	v17 =	vadd.f32 v10, v11;
	v3 =	vld [tilespmem:s15+$0x30]  }
0xe3: {  	v11 =	vadd.f32 v14, v1;
	v10 =	vadd.f32 v16, v9;
	v1 =	vld [tilespmem:s15+$0x60]  }
0xe4: {  	v13 =	vadd.f32 v12, v13;
	v12 =	vadd.f32 v15, v17;
	v9 =	vld [tilespmem:s15+$0x70];
	s15 =	sadd.s32 $0x100, s15  }
0xe5: {  	_ = 	snop  }
0xe6: {  	v2 =	vadd.f32 v2, v11;
	v6 =	vadd.f32 v6, v13  }
0xe7: {  	v8 =	vadd.f32 v8, v10;
	v7 =	vadd.f32 v7, v12  }
0xe8: {  	s11 =	sshll.u32 s11, $0x5;
	v0 =	vadd.f32 v0, v2;
	v2 =	vadd.f32 v4, v6  }
0xe9: {  	s11 =	sand.u32 $0x3FFFFFE0, s11;
	v3 =	vadd.f32 v3, v8;
	v4 =	vadd.f32 v5, v7  }
0xea: {  	v0 =	vadd.f32 v1, v0;
	[tilespmem:s11+$0xE200] =	vst v2  }
0xeb: {  	v1 =	vadd.f32 v9, v3;
	[tilespmem:s11+$0xE210] =	vst v4  }
0xec: {  	[tilespmem:s11+$0xE220] =	vst v0  }
0xed: {  	s8 =	sadd.s32 $0x960, s8;
	[tilespmem:s11+$0xE230] =	vst v1  }
0xee: {  	[hbm4b:s8+s3] =	stream.linear.scatter [tilespmem:s17], [sflag:$0xC], $0x1900, $0x38;
	[tilespmem:$0xEA00] =	vst v63  }
0xef: {  	s9 =	sor.u32 $0x7, s9;
	s8 =	simm.s32 @!p0 $0x10  }
0xf0: {  	s15 =	smul.u32 $0x1A0, s9;
	_ =	swait.ge @!p0 [sflag:s8], $0x1900  }
0xf1: {  	[sflag:s8] =	ssyncset.done @!p0 $0x0  }
0xf2: {  	s13 =	sshra.s32 s15, $0x2;
	[sflag:s8] =	ssyncadd.s32 @!p0 $0xFFFFE700  }
0xf3: {  	[tilespmem:s25], [sflag:$0x8] =	stream.indirect.gather [hbm4b:s4+s10], $0x40, s13, s10, $0xb8;
	[tilespmem:$0xEA00] =	vst v63  }
0xf4: {  	_ =	swait.ge [sflag:s26], $0x1900  }
0xf5: {  	[sflag:s26] =	ssyncset.done $0x0  }
0xf6: {  	s15 =	simm.s32 $0x7E80;
	[sflag:s26] =	ssyncadd.s32 $0xFFFFE700  }
0xf7: {  	v0 =	vld [tilespmem:s15+$0x40]  }
0xf8: {  	v1 =	vld [tilespmem:s15+$0x50]  }
0xf9: {  	v2 =	vld [tilespmem:s15+$0x0]  }
0xfa: {  	v3 =	vld [tilespmem:s15+$0x10]  }
0xfb: {  	v4 =	vld [tilespmem:s15+$0xFFFFFFC0]  }
0xfc: {  	v5 =	vld [tilespmem:s15+$0xFFFFFFD0]  }
0xfd: {  	v6 =	vld [tilespmem:s15+$0xFFFFFF80]  }
0xfe: {  	v7 =	vld [tilespmem:s15+$0xFFFFFF90]  }
0xff: {  	v9 =	vld [tilespmem:s15+$0xFFFFFFA0]  }
0x100: {  	v12 =	vld [tilespmem:s15+$0xFFFFFFB0]  }
0x101: {  	v11 =	vld [tilespmem:s15+$0xFFFFFFE0]  }
0x102: {  	v13 =	vld [tilespmem:s15+$0xFFFFFFF0]  }
0x103: {  	v15 =	vimm.f32 $0.0e+00;
	v8 =	vld [tilespmem:s15+$0x20]  }
0x104: {  	v10 =	vld [tilespmem:s15+$0x30];
	v6 =	vadd.f32 v6, v15;
	v7 =	vadd.f32 v7, v15  }
0x105: {  	v14 =	vadd.f32 v9, v15;
	v15 =	vadd.f32 v12, v15;
	v9 =	vld [tilespmem:s15+$0x60]  }
0x106: {  	s11 =	simm.s32 $0x7F80;
	s8 =	simm.s32 $0x0;
	v12 =	vld [tilespmem:s15+$0x70];
	v16 =	vadd.f32 v4, v6;
	v17 =	vadd.f32 v5, v7  }
.LBB2_11:
0x107: {  	v4 =	vld [tilespmem:s11+$0x40];
	v5 =	vadd.f32 v11, v14;
	v6 =	vadd.f32 v13, v15  }
0x108: {  	v7 =	vld [tilespmem:s11+$0x50];
	v11 =	vadd.f32 v2, v16;
	v13 =	vadd.f32 v3, v17  }
0x109: {  	v2 =	vld [tilespmem:s11+$0x0];
	v5 =	vadd.f32 v8, v5;
	v6 =	vadd.f32 v10, v6  }
0x10a: {  	v3 =	vld [tilespmem:s11+$0x10];
	v10 =	vadd.f32 v0, v11;
	v14 =	vadd.f32 v1, v13  }
0x10b: {  	v16 =	vld [tilespmem:s11+$0xFFFFFFC0];
	v5 =	vadd.f32 v9, v5;
	v6 =	vadd.f32 v12, v6  }
0x10c: {  	v12 =	vld [tilespmem:s11+$0xFFFFFFD0];
	v0 =	vmov v4  }
0x10d: {  	v4 =	vld [tilespmem:s11+$0xFFFFFF80];
	v1 =	vmov v7  }
0x10e: {  	v7 =	vld [tilespmem:s11+$0xFFFFFF90]  }
0x10f: {  	v9 =	vld [tilespmem:s11+$0xFFFFFFA0]  }
0x110: {  	s8 =	sadd.s32 $0x4, s8;
	v15 =	vld [tilespmem:s11+$0xFFFFFFB0]  }
0x111: {  	p0 =	slt.u32 s8, $0x60;
	v11 =	vld [tilespmem:s11+$0xFFFFFFE0]  }
.Ltmp6:
0x112: {  	v13 =	vld [tilespmem:s11+$0xFFFFFFF0];
	(pc) =	sbr.rel @p0 .LBB2_11-.Ltmp6, $4  }
0x113: {  	v8 =	vld [tilespmem:s11+$0x20]  }
0x114: {  	v4 =	vadd.f32 v4, v10;
	v7 =	vadd.f32 v7, v14;
	v10 =	vld [tilespmem:s11+$0x30]  }
0x115: {  	v14 =	vadd.f32 v9, v5;
	v15 =	vadd.f32 v15, v6;
	v9 =	vld [tilespmem:s11+$0x60]  }
0x116: {  	v16 =	vadd.f32 v16, v4;
	v17 =	vadd.f32 v12, v7;
	v12 =	vld [tilespmem:s11+$0x70];
	s11 =	sadd.s32 $0x100, s11  }
0x117: {  	s8 =	sadd.s32 s5, s16  }
0x118: {  	s8 =	smul.u32 $0x320, s8;
	_ =	sdelay $0x1  }
0x119: {  	p0 =	seq.s32 s14, $0x7;
	s8 =	sadd.s32 s2, s8  }
0x11a: {  	[hbm4b:s8+s3] =	stream.linear.scatter [tilespmem:s19], [sflag:$0xD], $0x1900, $0x38;
	[tilespmem:$0xEA00] =	vst v63  }
0x11b: {  	s8 =	smul.u32 @!p0 $0xD00, s14  }
0x11c: {  	_ =	swait.ge [sflag:s28], $0x1900  }
0x11d: {  	s13 =	simm.s32 @!p0 $0x64;
	[sflag:s28] =	ssyncset.done $0x0;
	s8 =	sshra.s32 @!p0 s8, $0x2  }
0x11e: {  	s15 =	simm.s32 @!p0 $0x1A00;
	[sflag:s28] =	ssyncadd.s32 $0xFFFFE700;
	s11 =	sadd.s32 @!p0 $0x340, s8  }
0x11f: {  	[tilespmem:s15], [sflag:$0x1] =	stream.indirect.gather @!p0 [hbm4b:s4+s13], $0x40, s11, s13, $0xb8;
	[tilespmem:$0xEA00] =	vst v63  }
0x120: {  	_ =	swait.ge [sflag:s29], $0x1900  }
0x121: {  	[sflag:s29] =	ssyncset.done $0x0  }
0x122: {  	s15 =	simm.s32 $0x9780;
	[sflag:s29] =	ssyncadd.s32 $0xFFFFE700  }
0x123: {  	v4 =	vld [tilespmem:s15+$0x40]  }
0x124: {  	v5 =	vld [tilespmem:s15+$0x50]  }
0x125: {  	v6 =	vld [tilespmem:s15+$0x0]  }
0x126: {  	v7 =	vld [tilespmem:s15+$0x10]  }
0x127: {  	v18 =	vld [tilespmem:s15+$0xFFFFFFC0]  }
0x128: {  	v19 =	vld [tilespmem:s15+$0xFFFFFFD0]  }
0x129: {  	v20 =	vld [tilespmem:s15+$0xFFFFFF80]  }
0x12a: {  	v21 =	vld [tilespmem:s15+$0xFFFFFF90]  }
0x12b: {  	v11 =	vadd.f32 v11, v14;
	v13 =	vadd.f32 v13, v15;
	v14 =	vld [tilespmem:s15+$0xFFFFFFA0]  }
0x12c: {  	v15 =	vadd.f32 v2, v16;
	v3 =	vadd.f32 v3, v17;
	v63 =	vld [tilespmem:s15+$0xFFFFFFB0]  }
0x12d: {  	v11 =	vadd.f32 v8, v11;
	v10 =	vadd.f32 v10, v13;
	v2 =	vld [tilespmem:s15+$0xFFFFFFE0]  }
0x12e: {  	v13 =	vadd.f32 v0, v15;
	v1 =	vadd.f32 v1, v3;
	v8 =	vld [tilespmem:s15+$0xFFFFFFF0]  }
0x12f: {  	v9 =	vadd.f32 v9, v11;
	v10 =	vadd.f32 v12, v10;
	v0 =	vld [tilespmem:s15+$0x20]  }
0x130: {  	v3 =	vld [tilespmem:s15+$0x30];
	v12 =	vadd.f32 v20, v13;
	v15 =	vadd.f32 v21, v1  }
0x131: {  	v11 =	vadd.f32 v14, v9;
	v10 =	vadd.f32 v63, v10;
	v1 =	vld [tilespmem:s15+$0x60]  }
0x132: {  	s11 =	simm.s32 $0x0;
	s13 =	simm.s32 $0x9880;
	v9 =	vld [tilespmem:s15+$0x70];
	v13 =	vadd.f32 v18, v12;
	v12 =	vadd.f32 v19, v15  }
.LBB2_13:
0x133: {  	v14 =	vld [tilespmem:s13+$0x40];
	v2 =	vadd.f32 v2, v11;
	v8 =	vadd.f32 v8, v10  }
0x134: {  	v10 =	vld [tilespmem:s13+$0x50];
	v11 =	vadd.f32 v6, v13;
	v12 =	vadd.f32 v7, v12  }
0x135: {  	v6 =	vld [tilespmem:s13+$0x0];
	v0 =	vadd.f32 v0, v2;
	v2 =	vadd.f32 v3, v8  }
0x136: {  	v7 =	vld [tilespmem:s13+$0x10];
	v3 =	vadd.f32 v4, v11;
	v11 =	vadd.f32 v5, v12  }
0x137: {  	v12 =	vld [tilespmem:s13+$0xFFFFFFC0];
	v1 =	vadd.f32 v1, v0;
	v9 =	vadd.f32 v9, v2  }
0x138: {  	v15 =	vld [tilespmem:s13+$0xFFFFFFD0];
	v4 =	vmov v14  }
0x139: {  	v13 =	vld [tilespmem:s13+$0xFFFFFF80];
	v5 =	vmov v10  }
0x13a: {  	v10 =	vld [tilespmem:s13+$0xFFFFFF90]  }
0x13b: {  	v14 =	vld [tilespmem:s13+$0xFFFFFFA0]  }
0x13c: {  	s11 =	sadd.s32 $0x4, s11;
	v16 =	vld [tilespmem:s13+$0xFFFFFFB0]  }
0x13d: {  	p1 =	slt.u32 s11, $0x60;
	v2 =	vld [tilespmem:s13+$0xFFFFFFE0]  }
.Ltmp7:
0x13e: {  	v8 =	vld [tilespmem:s13+$0xFFFFFFF0];
	(pc) =	sbr.rel @p1 .LBB2_13-.Ltmp7, $4  }
0x13f: {  	v0 =	vld [tilespmem:s13+$0x20]  }
0x140: {  	v13 =	vadd.f32 v13, v3;
	v17 =	vadd.f32 v10, v11;
	v3 =	vld [tilespmem:s13+$0x30]  }
0x141: {  	v11 =	vadd.f32 v14, v1;
	v10 =	vadd.f32 v16, v9;
	v1 =	vld [tilespmem:s13+$0x60]  }
0x142: {  	v13 =	vadd.f32 v12, v13;
	v12 =	vadd.f32 v15, v17;
	v9 =	vld [tilespmem:s13+$0x70];
	s13 =	sadd.s32 $0x100, s13  }
0x143: {  	_ = 	snop  }
0x144: {  	v2 =	vadd.f32 v2, v11;
	v6 =	vadd.f32 v6, v13  }
0x145: {  	v8 =	vadd.f32 v8, v10;
	v7 =	vadd.f32 v7, v12  }
0x146: {  	s11 =	sshll.u32 s16, $0x5;
	v0 =	vadd.f32 v0, v2;
	v2 =	vadd.f32 v4, v6  }
0x147: {  	s11 =	sand.u32 $0x3FFFFFE0, s11;
	v3 =	vadd.f32 v3, v8;
	v4 =	vadd.f32 v5, v7  }
0x148: {  	s7 =	sadd.s32 s5, s7;
	v0 =	vadd.f32 v1, v0;
	[tilespmem:s11+$0xE200] =	vst v2  }
0x149: {  	s7 =	smul.u32 $0x320, s7;
	v1 =	vadd.f32 v9, v3;
	[tilespmem:s11+$0xE210] =	vst v4  }
0x14a: {  	[tilespmem:s11+$0xE220] =	vst v0  }
0x14b: {  	s7 =	sadd.s32 s2, s7;
	[tilespmem:s11+$0xE230] =	vst v1  }
0x14c: {  	[hbm4b:s7+s3] =	stream.linear.scatter [tilespmem:s21], [sflag:$0xE], $0x1900, $0x38;
	[tilespmem:$0xEA00] =	vst v63  }
0x14d: {  	_ =	swait.ge [sflag:s30], $0x1900  }
0x14e: {  	s13 =	simm.s32 @!p0 $0x3300;
	[sflag:s30] =	ssyncset.done $0x0  }
0x14f: {  	s11 =	simm.s32 @!p0 $0x64;
	s7 =	sadd.s32 @!p0 $0x3A8, s8;
	[sflag:s30] =	ssyncadd.s32 $0xFFFFE700  }
0x150: {  	[tilespmem:s13], [sflag:$0x2] =	stream.indirect.gather @!p0 [hbm4b:s4+s11], $0x40, s7, s11, $0xb8;
	[tilespmem:$0xEA00] =	vst v63  }
0x151: {  	_ =	swait.ge [sflag:s31], $0x1900  }
0x152: {  	[sflag:s31] =	ssyncset.done $0x0  }
0x153: {  	s16 =	simm.s32 $0xB080;
	[sflag:s31] =	ssyncadd.s32 $0xFFFFE700  }
0x154: {  	v0 =	vld [tilespmem:s16+$0x40]  }
0x155: {  	v1 =	vld [tilespmem:s16+$0x50]  }
0x156: {  	v2 =	vld [tilespmem:s16+$0x0]  }
0x157: {  	v3 =	vld [tilespmem:s16+$0x10]  }
0x158: {  	v4 =	vld [tilespmem:s16+$0xFFFFFFC0]  }
0x159: {  	v5 =	vld [tilespmem:s16+$0xFFFFFFD0]  }
0x15a: {  	v6 =	vld [tilespmem:s16+$0xFFFFFF80]  }
0x15b: {  	v7 =	vld [tilespmem:s16+$0xFFFFFF90]  }
0x15c: {  	v9 =	vld [tilespmem:s16+$0xFFFFFFA0]  }
0x15d: {  	v12 =	vld [tilespmem:s16+$0xFFFFFFB0]  }
0x15e: {  	v11 =	vld [tilespmem:s16+$0xFFFFFFE0]  }
0x15f: {  	v13 =	vld [tilespmem:s16+$0xFFFFFFF0]  }
0x160: {  	v15 =	vimm.f32 $0.0e+00;
	v8 =	vld [tilespmem:s16+$0x20]  }
0x161: {  	v10 =	vld [tilespmem:s16+$0x30];
	v6 =	vadd.f32 v6, v15;
	v7 =	vadd.f32 v7, v15  }
0x162: {  	v14 =	vadd.f32 v9, v15;
	v15 =	vadd.f32 v12, v15;
	v9 =	vld [tilespmem:s16+$0x60]  }
0x163: {  	s7 =	simm.s32 $0x0;
	s11 =	simm.s32 $0xB180;
	v12 =	vld [tilespmem:s16+$0x70];
	v16 =	vadd.f32 v4, v6;
	v17 =	vadd.f32 v5, v7  }
.LBB2_15:
0x164: {  	v4 =	vld [tilespmem:s11+$0x40];
	v5 =	vadd.f32 v11, v14;
	v6 =	vadd.f32 v13, v15  }
0x165: {  	v7 =	vld [tilespmem:s11+$0x50];
	v11 =	vadd.f32 v2, v16;
	v13 =	vadd.f32 v3, v17  }
0x166: {  	v2 =	vld [tilespmem:s11+$0x0];
	v5 =	vadd.f32 v8, v5;
	v6 =	vadd.f32 v10, v6  }
0x167: {  	v3 =	vld [tilespmem:s11+$0x10];
	v10 =	vadd.f32 v0, v11;
	v14 =	vadd.f32 v1, v13  }
0x168: {  	v16 =	vld [tilespmem:s11+$0xFFFFFFC0];
	v5 =	vadd.f32 v9, v5;
	v6 =	vadd.f32 v12, v6  }
0x169: {  	v12 =	vld [tilespmem:s11+$0xFFFFFFD0];
	v0 =	vmov v4  }
0x16a: {  	v4 =	vld [tilespmem:s11+$0xFFFFFF80];
	v1 =	vmov v7  }
0x16b: {  	v7 =	vld [tilespmem:s11+$0xFFFFFF90]  }
0x16c: {  	v9 =	vld [tilespmem:s11+$0xFFFFFFA0]  }
0x16d: {  	s7 =	sadd.s32 $0x4, s7;
	v15 =	vld [tilespmem:s11+$0xFFFFFFB0]  }
0x16e: {  	p1 =	slt.u32 s7, $0x60;
	v11 =	vld [tilespmem:s11+$0xFFFFFFE0]  }
.Ltmp8:
0x16f: {  	v13 =	vld [tilespmem:s11+$0xFFFFFFF0];
	(pc) =	sbr.rel @p1 .LBB2_15-.Ltmp8, $4  }
0x170: {  	v8 =	vld [tilespmem:s11+$0x20]  }
0x171: {  	v4 =	vadd.f32 v4, v10;
	v7 =	vadd.f32 v7, v14;
	v10 =	vld [tilespmem:s11+$0x30]  }
0x172: {  	v14 =	vadd.f32 v9, v5;
	v15 =	vadd.f32 v15, v6;
	v9 =	vld [tilespmem:s11+$0x60]  }
0x173: {  	v16 =	vadd.f32 v16, v4;
	v17 =	vadd.f32 v12, v7;
	v12 =	vld [tilespmem:s11+$0x70];
	s11 =	sadd.s32 $0x100, s11  }
0x174: {  	s7 =	sadd.s32 s5, s6  }
0x175: {  	s7 =	smul.u32 $0x320, s7;
	_ =	sdelay $0x1  }
0x176: {  	s7 =	sadd.s32 s2, s7  }
0x177: {  	[hbm4b:s7+s3] =	stream.linear.scatter [tilespmem:s23], [sflag:$0xF], $0x1900, $0x38;
	[tilespmem:$0xEA00] =	vst v63  }
0x178: {  	_ =	swait.ge [sflag:s1], $0x1900  }
0x179: {  	s11 =	simm.s32 @!p0 $0x4C00;
	[sflag:s1] =	ssyncset.done $0x0  }
0x17a: {  	s7 =	sadd.s32 @!p0 $0x410, s8;
	s8 =	simm.s32 @!p0 $0x64;
	[sflag:s1] =	ssyncadd.s32 $0xFFFFE700  }
0x17b: {  	[tilespmem:s11], [sflag:$0x3] =	stream.indirect.gather @!p0 [hbm4b:s4+s8], $0x40, s7, s8, $0xb8;
	[tilespmem:$0xEA00] =	vst v63  }
0x17c: {  	_ =	swait.ge [sflag:s0], $0x1900  }
0x17d: {  	[sflag:s0] =	ssyncset.done $0x0  }
0x17e: {  	s16 =	simm.s32 $0xC980;
	[sflag:s0] =	ssyncadd.s32 $0xFFFFE700  }
0x17f: {  	v4 =	vld [tilespmem:s16+$0x40]  }
0x180: {  	v5 =	vld [tilespmem:s16+$0x50]  }
0x181: {  	v6 =	vld [tilespmem:s16+$0x0]  }
0x182: {  	v7 =	vld [tilespmem:s16+$0x10]  }
0x183: {  	v18 =	vld [tilespmem:s16+$0xFFFFFFC0]  }
0x184: {  	v19 =	vld [tilespmem:s16+$0xFFFFFFD0]  }
0x185: {  	v20 =	vld [tilespmem:s16+$0xFFFFFF80]  }
0x186: {  	v21 =	vld [tilespmem:s16+$0xFFFFFF90]  }
0x187: {  	v11 =	vadd.f32 v11, v14;
	v13 =	vadd.f32 v13, v15;
	v14 =	vld [tilespmem:s16+$0xFFFFFFA0]  }
0x188: {  	v15 =	vadd.f32 v2, v16;
	v3 =	vadd.f32 v3, v17;
	v63 =	vld [tilespmem:s16+$0xFFFFFFB0]  }
0x189: {  	v11 =	vadd.f32 v8, v11;
	v10 =	vadd.f32 v10, v13;
	v2 =	vld [tilespmem:s16+$0xFFFFFFE0]  }
0x18a: {  	v13 =	vadd.f32 v0, v15;
	v1 =	vadd.f32 v1, v3;
	v8 =	vld [tilespmem:s16+$0xFFFFFFF0]  }
0x18b: {  	v9 =	vadd.f32 v9, v11;
	v10 =	vadd.f32 v12, v10;
	v0 =	vld [tilespmem:s16+$0x20]  }
0x18c: {  	v3 =	vld [tilespmem:s16+$0x30];
	v12 =	vadd.f32 v20, v13;
	v15 =	vadd.f32 v21, v1  }
0x18d: {  	v11 =	vadd.f32 v14, v9;
	v10 =	vadd.f32 v63, v10;
	v1 =	vld [tilespmem:s16+$0x60]  }
0x18e: {  	s7 =	simm.s32 $0x0;
	s8 =	simm.s32 $0xCA80;
	v9 =	vld [tilespmem:s16+$0x70];
	v13 =	vadd.f32 v18, v12;
	v12 =	vadd.f32 v19, v15  }
.LBB2_17:
0x18f: {  	v14 =	vld [tilespmem:s8+$0x40];
	v2 =	vadd.f32 v2, v11;
	v8 =	vadd.f32 v8, v10  }
0x190: {  	v10 =	vld [tilespmem:s8+$0x50];
	v11 =	vadd.f32 v6, v13;
	v12 =	vadd.f32 v7, v12  }
0x191: {  	v6 =	vld [tilespmem:s8+$0x0];
	v0 =	vadd.f32 v0, v2;
	v2 =	vadd.f32 v3, v8  }
0x192: {  	v7 =	vld [tilespmem:s8+$0x10];
	v3 =	vadd.f32 v4, v11;
	v11 =	vadd.f32 v5, v12  }
0x193: {  	v12 =	vld [tilespmem:s8+$0xFFFFFFC0];
	v1 =	vadd.f32 v1, v0;
	v9 =	vadd.f32 v9, v2  }
0x194: {  	v15 =	vld [tilespmem:s8+$0xFFFFFFD0];
	v4 =	vmov v14  }
0x195: {  	v13 =	vld [tilespmem:s8+$0xFFFFFF80];
	v5 =	vmov v10  }
0x196: {  	v10 =	vld [tilespmem:s8+$0xFFFFFF90]  }
0x197: {  	v14 =	vld [tilespmem:s8+$0xFFFFFFA0]  }
0x198: {  	s7 =	sadd.s32 $0x4, s7;
	v16 =	vld [tilespmem:s8+$0xFFFFFFB0]  }
0x199: {  	p1 =	slt.u32 s7, $0x60;
	v2 =	vld [tilespmem:s8+$0xFFFFFFE0]  }
.Ltmp9:
0x19a: {  	v8 =	vld [tilespmem:s8+$0xFFFFFFF0];
	(pc) =	sbr.rel @p1 .LBB2_17-.Ltmp9, $4  }
0x19b: {  	v0 =	vld [tilespmem:s8+$0x20]  }
0x19c: {  	v13 =	vadd.f32 v13, v3;
	v17 =	vadd.f32 v10, v11;
	v3 =	vld [tilespmem:s8+$0x30]  }
0x19d: {  	v11 =	vadd.f32 v14, v1;
	v10 =	vadd.f32 v16, v9;
	v1 =	vld [tilespmem:s8+$0x60]  }
0x19e: {  	v13 =	vadd.f32 v12, v13;
	v12 =	vadd.f32 v15, v17;
	v9 =	vld [tilespmem:s8+$0x70];
	s8 =	sadd.s32 $0x100, s8  }
0x19f: {  	_ = 	snop  }
0x1a0: {  	v2 =	vadd.f32 v2, v11;
	v6 =	vadd.f32 v6, v13  }
0x1a1: {  	v8 =	vadd.f32 v8, v10;
	v7 =	vadd.f32 v7, v12  }
0x1a2: {  	s6 =	sshll.u32 s6, $0x5;
	v0 =	vadd.f32 v0, v2;
	v61 =	vadd.f32 v4, v6  }
0x1a3: {  	s6 =	sand.u32 $0x3FFFFFE0, s6;
	v3 =	vadd.f32 v3, v8;
	v62 =	vadd.f32 v5, v7  }
0x1a4: {  	s7 =	sadd.s32 s5, s9;
	v0 =	vadd.f32 v1, v0;
	[tilespmem:s6+$0xE200] =	vst v61  }
0x1a5: {  	s7 =	smul.u32 $0x320, s7;
	v63 =	vadd.f32 v9, v3;
	[tilespmem:s6+$0xE210] =	vst v62  }
0x1a6: {  	[tilespmem:s6+$0xE220] =	vst v0  }
.Ltmp10:
0x1a7: {  	s16 =	sadd.s32 s2, s7;
	[tilespmem:s6+$0xE230] =	vst v63;
	(pc) =	sbr.rel @p0 .LBB2_20-.Ltmp10, $4  }
0x1a8: {  	[hbm4b:s16+s3] =	stream.linear.scatter [tilespmem:s25], [sflag:$0x10], $0x1900, $0x38;
	[tilespmem:$0xEA00] =	vst v63  }
0x1a9: {  	_ =	swait.ge [sflag:s12], $0x1900  }
0x1aa: {  	[sflag:s12] =	ssyncset.done $0x0  }
0x1ab: {  	[sflag:s12] =	ssyncadd.s32 $0xFFFFE700  }
0x1ac: {  	s6 =	smul.u32 $0xD00, s14  }
.Ltmp11:
0x1ad: {  	_ = 	snop;
	(pc) =	sbr.rel .LBB2_2-.Ltmp11, $4  }
0x1ae: {  	_ = 	snop  }
0x1af: {  	s6 =	sshra.s32 s6, $0x2  }
0x1b0: {  	s14 =	sadd.s32 $0x1, s14;
	s6 =	sadd.s32 $0x478, s6  }
0x1b1: {  	[tilespmem:s17], [sflag:$0x4] =	stream.indirect.gather [hbm4b:s4+s10], $0x40, s6, s10, $0xb8;
	[tilespmem:$0xEA00] =	vst v63  }
.LBB2_21:
0x1b2: {  	_ =	sfence.sel $0x180000  }
0x1b3: {  	[bflag:$0x0] =	sbarrier.arrive $0xFFFF  }
0x1b4: {  	_ =	strace $0x90000047  }
0x1b5: {  	s0 =	stileid.u32;
	[bflag:$0x2] =	sbarrier.arrive $0xFFFF  }
0x1b6: {  	p0 =	sne.s32 s0, $0x0;
	s0 =	rddreg [dreg:$0x3]  }
0x1b7: {  	s0 =	sadd.s32 @!p0 $0x100000, s0  }
0x1b8: {  	[sflag:s0] =	ssyncadd.tile.s32 @!p0 $0x1;
	_ =	shalt  }
.Lfunc_end2:
_tile_overlayer_lowered:
.L_overlay_start_2:
0x1b9: {  	(tag) =	ssettag $0x2  }
0x1ba: {  	s0 =	rddreg [dreg:$0x0];
	s2 =	stileid.u32  }
0x1bb: {  	s1 =	rddreg [dreg:$0x1];
	p0 =	sne.s32 s2, $0x0  }
0x1bc: {  	s3 =	rddreg [dreg:$0x2];
	[bflag:$0x3] =	sbarrier.arrive $0xFFFF;
	s2 =	simm.s32 @!p0 $0x1C11  }
0x1bd: {  	[timem:s3], [sflag:s2] =	dma.local @!p0 [hbm:s0], s1  }
0x1be: {  	s0 =	simm.s32 @!p0 $0x11  }
0x1bf: {  	_ =	swait.ge @!p0 [sflag:s0], s1  }
0x1c0: {  	s1 =	ssub.s32 @!p0 $0x0, s1;
	[sflag:s0] =	ssyncset.done @!p0 $0x0  }
0x1c1: {  	[sflag:s0] =	ssyncadd.s32 @!p0 s1  }
0x1c2: {  	[bflag:$0x3] =	sbarrier.arrive $0xFFFF  }
0x1c3: {  	_ =	shalt  }

// kernel: sparse-core-data-format-call.cloned.1.call-start
scs
called_computation_lowered:
.L_overlay_start_0:
0x0: {  	s2 =	sld [smem:$0x3FD9]  }
0x1: {  	s3 =	sld [smem:$0x3FFE];
	_ =	sdelay $0x1  }
0x2: {  	s1 =	srdreg.scid  }
0x3: {  	s0 =	sand.u32 $0x1, s1  }
0x4: {  	s15 =	sshll.u32 s0, $0xA;
	s2 =	sadd.s32 s3, s2  }
0x5: {  	s2 =	sadd.s32 s2, s15  }
0x6: {  	[smem:$0x3FC6] =	sst s2  }
0x7: {  	_ = 	snop  }
0x8: {  	s2 =	sld [smem:$0x3FD0];
	_ =	sdelay $0x2  }
0x9: {  	s16 =	simm.s32 $0xA;
	s4 =	simm.s32 $0x10  }
0xa: {  	[smem:s4], [sflag:s16] =	dma.local [hbm:s2], $0x1  }
0xb: {  	_ =	swait.eq [sflag:s16], $0x1  }
0xc: {  	[sflag:s16] =	ssyncset.done $0x0  }
0xd: {  	[sflag:s16] =	ssyncadd.s32 $0xFFFFFFFF  }
0xe: {  	s17 =	sld [smem:$0x10];
	(tm) =	ssettm $0x1  }
0xf: {  	s18 =	sld [smem:$0x3FFB];
	_ =	sdelay $0x3  }
0x10: {  	_ =	strace s18  }
0x11: {  	s3 =	sld [smem:$0x3FFC];
	_ =	sdelay $0x3  }
0x12: {  	_ =	strace s3  }
0x13: {  	s3 =	sld [smem:$0x3FFD];
	_ =	sdelay $0x3  }
0x14: {  	_ =	strace s3  }
0x15: {  	_ =	strace $0x8FFFFFFF  }
0x16: {  	s19 =	sld [smem:$0x3FDB];
	_ =	sdelay $0x1  }
0x17: {  	s20 =	simm.s32 $_scs_section_size  }
0x18: {  	s5 =	simm.s32 $_size__tile_overlayer_lowered;
	s6 =	simm.s32 $_tile_overlayer_lowered  }
0x19: {  	s23 =	simm.s32 $0x1BFF;
	s22 =	sshll.u32 s6, $0x1;
	s3 =	sadd.s32 s20, s19  }
0x1a: {  	s7 =	simm.s32 $0x0;
	s21 =	sshll.u32 s5, $0x1;
	s5 =	sadd.s32 s22, s3  }
0x1b: {  	[timem:s7], [sflag:s23] =	dma.local [hbm:s5], s21  }
0x1c: {  	_ =	swait.ge [sflag:s23], s21  }
0x1d: {  	s4 =	ssub.s32 $0x0, s21;
	[sflag:s23] =	ssyncset.done $0x0  }
0x1e: {  	[sflag:s23] =	ssyncadd.s32 s4;
	_ =	sdelay $0x1  }
0x1f: {  	s24 =	simm.s32 $0x1B8B  }
0x20: {  	_ =	swait.ge [sflag:s24], $0x1  }
0x21: {  	[sflag:s24] =	ssyncset.done $0x0  }
0x22: {  	s26 =	simm.s32 $0x1B8E;
	s25 =	sld [smem:$0x3FFE];
	[sflag:s24] =	ssyncadd.s32 $0xFFFFFFFF  }
0x23: {  	s27 =	simm.s32 $execute0_lowered;
	[smem:$0x3FD2] =	sst s26  }
0x24: {  	s5 =	sshll.u32 s27, $0x1;
	_ =	strace $0x80000049;
	[dreg:$0x1] =	wrdreg $0xFFFFFFFF  }
0x25: {  	s28 =	simm.s32 $_size_execute0_lowered;
	s3 =	sadd.s32 s3, s5;
	[dreg:$0x0] =	wrdreg $0x0  }
0x26: {  	s5 =	sshll.u32 s28, $0x1;
	[dreg:$0x2] =	wrdreg s3  }
0x27: {  	[dreg:$0x3] =	wrdreg s5  }
0x28: {  	[dreg:$0x4] =	wrdreg $0xC0  }
0x29: {  	_ =	task [dreg:s7], $0x5FFFF  }
0x2a: {  	[dreg:$0x1] =	wrdreg $0xFFFFFFFF  }
0x2b: {  	[dreg:$0x0] =	wrdreg $0x60  }
0x2c: {  	[dreg:$0x2] =	wrdreg s25  }
0x2d: {  	[dreg:$0x3] =	wrdreg s17  }
0x2e: {  	[dreg:$0x4] =	wrdreg $0x9  }
0x2f: {  	_ =	task.clear_ibuf [dreg:s7], $0x5FFFF;
	_ =	strace $0x90000049  }
0x30: {  	s29 =	simm.s32 $0x9;
	_ =	strace $0x8000004B  }
0x31: {  	_ =	swait.ge [sflag:s29], $0x1  }
0x32: {  	[sflag:s29] =	ssyncadd.s32 $0xFFFFFFFF  }
0x33: {  	_ =	strace $0x9000004B  }
0x34: {  	_ =	sfence  }
0x35: {  	s30 =	sld [smem:$0x0];
	_ =	sdelay $0x2  }
0x36: {  	s31 =	sshll.u32 s1, $0xD;
	s1 =	sshrl.u32 s1, $0x2  }
0x37: {  	s3 =	sand.u32 $0x4000, s31;
	s1 =	sadd.s32 s1, s30  }
0x38: {  	s0 =	sor.u32 s3, s0;
	s1 =	sshll.u32 s1, $0x11  }
0x39: {  	s0 =	sor.u32 s1, s0  }
0x3a: {  	s0 =	sadd.s32 $0x8F2B, s0  }
0x3b: {  	[sflag:s0] =	ssyncadd.remote.s32 $0x1  }
0x3c: {  	_ =	sfence.sel $0xFFFF  }
0x3d: {  	[dreg:$0x0] =	wrdreg $0xFFFFFFFF;
	(pc) =	sbr.abs _section_cstart, $3  }
0x3e: {  	[dreg:$0x1] =	wrdreg $0xFFFFFFFF  }
0x3f: {  	_ =	task.clear_ibuf [dreg:s7], $0x2FFFF;
	_ =	strace $0x9FFFFFFF  }
0x40: {  	(tm) =	ssettm $0x7FFFFFFF  }
0x41: {  	_ =	shalt  }
tec
execute0_lowered:
.L_overlay_start_1:
0x0: {  	(tag) =	ssettag $0x1  }
0x1: {  	s7 =	rddreg [dreg:$0x0]  }
0x2: {  	s0 =	stileid.u32;
	s2 =	rddreg [dreg:$0x1]  }
0x3: {  	s1 =	rddreg [dreg:$0x2];
	s4 =	srdreg.scid;
	_ =	strace $0x8000004A  }
0x4: {  	s31 =	simm.s32 $0x2;
	s13 =	simm.s32 $0x0;
	s3 =	sshll.u32 s0, $0x7  }
0x5: {  	s14 =	simm.s32 $0x0;
	s4 =	sand.u32 $0x1, s4;
	s5 =	ssub.s32 $0x800, s3  }
0x6: {  	s12 =	simm.s32 $0x0;
	s8 =	ssub.s32 $0x64, s4;
	s6 =	sand.u32 $0x780, s5  }
0x7: {  	s9 =	sshrl.u32 s5, $0xB;
	p0 =	sne.s32 s6, $0x0;
	s6 =	simm.s32 $0x1  }
.Ltmp0:
0x8: {  	s10 =	sshrl.u32 s8, $0x1;
	s6 =	simm.s32 @!p0 $0x0;
	(pc) =	sbr.rel .LBB1_1-.Ltmp0, $4  }
0x9: {  	s5 =	simm.s32 $0x1;
	s8 =	ssub.s32 s8, s10;
	s6 =	sadd.s32 s6, s9  }
0xa: {  	s7 =	sadd.s32 $0x1000, s7;
	[sflag:s5] =	ssyncpa.u1 $0x0;
	s6 =	smul.u32 s8, s6  }
0xb: {  	s11 =	smov.u32 s3;
	s10 =	smov.u32 s4;
	[sflag:s31] =	ssyncpa.u1 $0x0  }
0xc: {  	p0 =	por $0x0, $0x0;
	s9 =	simm.s32 $0x4000;
	s8 =	sadd.s32 $0x1, s6  }
.LBB1_4:
0xd: {  	s17 =	sshll.u32 s14, $0x3;
	s18 =	sand.u32 $0x78, s14  }
0xe: {  	s30 =	sand.u32 $0x3F00, s14;
	s13 =	sshll.u32 s13, $0xE;
	s17 =	sand.u32 $0x400, s17  }
0xf: {  	[tilespmem:s16+$0x810 ss:$0x81] =	vst.msk $0xffff, v2;
	s31 =	sand.u32 $0x7, s14;
	s17 =	sor.u32 s18, s17;
	s18 =	sadd.s32 s2, s30  }
0x10: {  	[tilespmem:s16+$0x1020 ss:$0x81] =	vst.msk $0xffff, v0;
	s14 =	sshll.u32 s31, $0x12;
	s13 =	sadd.s32 s13, s18;
	s17 =	sshrl.u32 s17, $0x3  }
0x11: {  	[tilespmem:s16+$0x0 ss:$0x81] =	vst.msk $0xffff, v1;
	s14 =	sor.u32 $0x400, s14;
	s13 =	sadd.s32 s17, s13  }
0x12: {  	[hbm4b:s13+s14] =	stream.strided.scatter [tilespmem:s15], [sflag:$0x2], $0x2000, s9, s14, $0x20;
	[tilespmem:$0x8080] =	vst v63  }
.LBB1_5:
0x13: {  	s15 =	sadd.s32 $0x2, s10  }
0x14: {  	s13 =	sadd.s32 $0x800, s11;
	s17 =	smov.u32 s11;
	p2 =	sgt.s32 s15, $0x63  }
0x15: {  	s17 =	smov.u32 @p2 s13  }
0x16: {  	s15 =	smov.u32 @p2 s4;
	p2 =	sgt.s32 s17, $0x7FF  }
0x17: {  	s17 =	smov.u32 @p2 s3;
	p2 =	sne.s32 s12, s8  }
.Ltmp1:
0x18: {  	p1 =	slt.u32 s12, $0x2;
	(pc) =	sbr.rel @!p2 .LBB1_6-.Ltmp1, $4  }
0x19: {  	s16 =	simm.s32 @!p1 $0x2  }
0x1a: {  	s14 =	smov.u32 s11;
	p0 =	por !p0, !p0;
	_ =	swait.ge @!p1 [sflag:s16], $0x2000  }
0x1b: {  	s13 =	smov.u32 s10;
	[sflag:s16] =	ssyncset.done @!p1 $0x0;
	s10 =	smov.u32 s15  }
0x1c: {  	s12 =	sadd.s32 $0x1, s12;
	[sflag:s16] =	ssyncadd.s32 @!p1 $0xFFFFE000;
	s11 =	smov.u32 s17  }
.LBB1_1:
0x1d: {  	p1 =	sge.u32 s12, s6  }
0x1e: {  	s15 =	sand.u32 @!p1 $0x1FFFFFF, s10  }
0x1f: {  	s16 =	smulhi.u32 @!p1 $0x2762763, s15;
	_ =	sdelay $0x1  }
0x20: {  	s16 =	smul.u32 @!p1 $0x68, s16  }
0x21: {  	s17 =	sxor.u32 @!p1 $0xFFFFFFFF, s12;
	s18 =	smul.u32 @!p1 $0x680, s11  }
0x22: {  	s31 =	sadd.s32 $0xFFFFFFFF, s12;
	s17 =	sshll.u32 @!p1 s17, $0xD;
	s15 =	ssub.s32 @!p1 s15, s16  }
0x23: {  	s16 =	sand.u32 @!p1 $0x2000, s17;
	s17 =	sadd.s32 @!p1 s7, s18;
	s15 =	sshll.u32 @!p1 s15, $0x4  }
0x24: {  	s18 =	simm.s32 @!p1 $0x3400;
	s15 =	sadd.s32 @!p1 s15, s17;
	s17 =	simm.s32 @!p1 $0x40  }
0x25: {  	[tilespmem:s16], [sflag:$0x1] =	stream.strided.gather @!p1 [hbm4b:s15+s17], $0x2000, s18, s17, $0x38;
	[tilespmem:$0x8080] =	vst v63  }
0x26: {  	p1 =	sge.u32 s31, s6  }
.Ltmp2:
0x27: {  	_ = 	snop;
	(pc) =	sbr.rel @p1 .LBB1_5-.Ltmp2, $1  }
0x28: {  	_ =	sdelay $0x3  }
0x29: {  	s15 =	simm.s32 $0x1  }
0x2a: {  	_ =	swait.ge [sflag:s5], $0x2000;
	s15 =	simm.s32 @!p0 $0x0  }
0x2b: {  	[sflag:s5] =	ssyncset.done $0x0;
	s16 =	sshll.u32 s15, $0xD  }
0x2c: {  	[sflag:s5] =	ssyncadd.s32 $0xFFFFE000;
	s19 =	sor.u32 $0x20, s16  }
0x2d: {  	s15 =	smul.u32 $0x8100, s15;
	v3 =	vld [tilespmem:s19+$0x10]  }
0x2e: {  	s30 =	sand.u32 $0x1, s12;
	v2 =	vld [tilespmem:s19+$0xFFFFFFF0]  }
0x2f: {  	s16 =	smul.u32 $0x8100, s30;
	s15 =	sshrl.u32 s15, $0x2;
	v0 =	vld [tilespmem:s19+$0x0]  }
0x30: {  	v1 =	vld [tilespmem:s19+$0xFFFFFFE0];
	s17 =	sor.u32 $0x4000, s15  }
0x31: {  	s31 =	sshrl.u32 s16, $0x2;
	s16 =	sadd.s32 $0x0, s17  }
0x32: {  	s18 =	simm.s32 $0x4;
	s19 =	sadd.s32 $0x40, s19;
	s15 =	sor.u32 $0x4000, s31;
	[tilespmem:s16+$0x1830 ss:$0x81] =	vst.msk $0xffff, v3  }
.LBB1_3:
0x33: {  	v3 =	vld [tilespmem:s19+$0x10];
	p1 =	sne.s32 s18, $0x1FC;
	[tilespmem:s16+$0x810 ss:$0x81] =	vst.msk $0xffff, v2;
	s20 =	smov.u32 s18;
	s18 =	sadd.s32 $0x4, s18  }
.Ltmp3:
0x34: {  	v2 =	vld [tilespmem:s19+$0xFFFFFFF0];
	[tilespmem:s16+$0x1020 ss:$0x81] =	vst.msk $0xffff, v0;
	(pc) =	sbr.rel @p1 .LBB1_3-.Ltmp3, $4  }
0x35: {  	v0 =	vld [tilespmem:s19+$0x0];
	[tilespmem:s16+$0x0 ss:$0x81] =	vst.msk $0xffff, v1  }
0x36: {  	s16 =	sshra.s32 s20, $0x2;
	v1 =	vld [tilespmem:s19+$0xFFFFFFE0]  }
0x37: {  	s16 =	sadd.s32 s16, s17  }
0x38: {  	s19 =	sadd.s32 $0x40, s19;
	[tilespmem:s16+$0x1830 ss:$0x81] =	vst.msk $0xffff, v3  }
.Ltmp4:
0x39: {  	_ = 	snop;
	(pc) =	sbr.rel .LBB1_4-.Ltmp4, $1  }
0x3a: {  	_ =	sdelay $0x3  }
.LBB1_6:
0x3b: {  	_ =	sfence.sel $0x180000  }
0x3c: {  	s2 =	simm.s32 $0x1;
	[bflag:$0x0] =	sbarrier.arrive $0xFFFF  }
0x3d: {  	s31 =	simm.s32 $0x2;
	[sflag:s2] =	ssyncpa.u1 $0x1  }
0x3e: {  	[sflag:s31] =	ssyncpa.u1 $0x1  }
0x3f: {  	p0 =	sne.s32 s0, $0x0;
	_ =	strace $0x9000004A  }
0x40: {  	s0 =	sadd.s32 @!p0 $0x100000, s1;
	[bflag:$0x2] =	sbarrier.arrive $0xFFFF  }
0x41: {  	[sflag:s0] =	ssyncadd.tile.s32 @!p0 $0x1;
	_ =	shalt  }
.Lfunc_end1:
_tile_overlayer_lowered:
.L_overlay_start_2:
0x42: {  	(tag) =	ssettag $0x2  }
0x43: {  	s0 =	rddreg [dreg:$0x0];
	s2 =	stileid.u32  }
0x44: {  	s1 =	rddreg [dreg:$0x1];
	p0 =	sne.s32 s2, $0x0  }
0x45: {  	s3 =	rddreg [dreg:$0x2];
	[bflag:$0x3] =	sbarrier.arrive $0xFFFF;
	s2 =	simm.s32 @!p0 $0x1C01  }
0x46: {  	[timem:s3], [sflag:s2] =	dma.local @!p0 [hbm:s0], s1  }
0x47: {  	s0 =	simm.s32 @!p0 $0x1  }
0x48: {  	_ =	swait.ge @!p0 [sflag:s0], s1  }
0x49: {  	s1 =	ssub.s32 @!p0 $0x0, s1;
	[sflag:s0] =	ssyncset.done @!p0 $0x0  }
0x4a: {  	[sflag:s0] =	ssyncadd.s32 @!p0 s1  }
0x4b: {  	[bflag:$0x3] =	sbarrier.arrive $0xFFFF  }
0x4c: {  	_ =	shalt  }

</sc_bundles>
